<compile_context>
chip_gen: v7x
topology: tpu7x:2x2x1
jax: 0.10.2.dev20260603
libtpu: 0.0.44.dev20260713+nightly
codegen_flags: <defaults>
</compile_context>

<pallas_src>
import functools

import jax
import jax.numpy as jnp
from jax import lax
from jax.experimental import pallas as pl
from jax.experimental.pallas import tpu as pltpu
from jax.experimental.pallas import tpu_sc as plsc

EMBED = 256


@functools.lru_cache(maxsize=None)
def _make_lookup(n_rows: int, vocab: int, s_len: int):
    info = plsc.get_sparse_core_info()
    nw = info.num_cores * info.num_subcores
    assert n_rows % (8 * nw) == 0
    per_w = n_rows // nw
    assert s_len % per_w == 0
    mesh = plsc.VectorSubcoreMesh(core_axis_name="c", subcore_axis_name="s")

    @functools.partial(
        pl.kernel,
        mesh=mesh,
        out_type=jax.ShapeDtypeStruct((n_rows, EMBED), jnp.float32),
        scratch_types=[
            pltpu.VMEM((vocab, EMBED), jnp.float32),
            pltpu.VMEM((per_w,), jnp.int32),
            pltpu.VMEM((128, EMBED), jnp.float32),
            pltpu.SemaphoreType.DMA,
        ],
    )
    def lookup(table_hbm, idx_hbm, out_hbm, table_v, idx_v, drain_v, sem):
        wid = lax.axis_index("s") * info.num_cores + lax.axis_index("c")
        base = wid * per_w
        s_len = idx_hbm.shape[1]
        pltpu.sync_copy(table_hbm, table_v)
        pltpu.sync_copy(
            idx_hbm.at[base // s_len, pl.ds(base % s_len, per_w)], idx_v
        )

        def group_body(g, carry):
            iv = idx_v[pl.ds(g * 16, 16)]
            for r in range(16):
                s = iv[r]
                pltpu.async_copy(
                    table_v.at[s], out_hbm.at[base + g * 16 + r], sem
                )
            return carry

        lax.fori_loop(0, per_w // 16, group_body, 0)

        for _ in range(per_w // 128):
            pltpu.make_async_copy(
                out_hbm.at[pl.ds(0, 128)], drain_v, sem
            ).wait()

    return lookup


def kernel(x, table):
    b, s = x.shape
    n = b * s
    idx = x.astype(jnp.int32)
    out = _make_lookup(n, table.shape[0], s)(table.astype(jnp.float32), idx)
    return out.reshape(b, s, EMBED)

# --- scband reference (transcript-rebuilt; emitter-appended) ---
"""Pipeline reference for scband-hyena-model-54382875902279 (READ-ONLY COPY).

The authoritative reference and input builder live on the scoring server;
editing this copy changes nothing except your own understanding.
"""

import jax, jax.numpy as jnp
import numpy as np

VOCAB = 5
EMBED_DIM = 256

def setup_inputs(seed: int = 0) -> dict:
    key = jax.random.key(seed)
    k_x, k_w = jax.random.split(key)
    x = jax.random.randint(k_x, (4, 8192), 0, VOCAB, dtype=jnp.int64 if jax.config.jax_enable_x64 else jnp.int32)
    # embedding table: nn.Embedding(5, embed_dim) default init ~ N(0, 1)
    table = jax.random.normal(k_w, (VOCAB, EMBED_DIM), dtype=jnp.float32)
    return {"x": x, "table": table}

def reference(x, table):
    # HyenaModel.forward: x = self.embedding(x); return x
    return jnp.take(table, x, axis=0)

if __name__ == "__main__":
    import jax
    _d = setup_inputs()
    print(jax.jit(kernel)(*tuple(_d.values())))

</pallas_src>

<mosaic_0001>
#map = affine_map<(d0, d1) -> (0, 0)>
module attributes {stable_mosaic.version = 14 : i64} {
  func.func @lookup(%arg0: i32, %arg1: i32, %arg2: memref<5x256xf32, #tpu.memory_space<hbm>>, %arg3: memref<4x8192xi32, #tpu.memory_space<hbm>>, %arg4: memref<32768x256xf32, #tpu.memory_space<hbm>>, %arg5: memref<5x256xf32, #tpu.memory_space<vmem>>, %arg6: memref<1024xi32, #tpu.memory_space<vmem>>, %arg7: memref<128x256xf32, #tpu.memory_space<vmem>>, %arg8: memref<!tpu.dma_semaphore, #tpu.memory_space<semaphore_mem>>) attributes {dimension_semantics = [#tpu.dimension_semantics<core_parallel>, #tpu.dimension_semantics<subcore_parallel>], iteration_bounds = array<i64: 2, 16>, scalar_prefetch = 0 : i64, scratch_operands = 4 : i64, tpu.core_type = #tpu.core_type<sc_vector_subcore>, window_params = [{transform_indices = #map}, {transform_indices = #map}, {transform_indices = #map}]} {
    %mul3A = arith.constant 2 : i32
    %mul3A_0 = arith.muli %arg1, %mul3A : i32
    %add3A = arith.addi %mul3A_0, %arg0 : i32
    %mul3A_1 = arith.constant 1024 : i32
    %mul3A_2 = arith.muli %add3A, %mul3A_1 : i32
    "tpu.region"() ({
      %run_scoped3A = tpu.sem_alloc : memref<!tpu.dma_semaphore, #tpu.memory_space<semaphore_mem>>
      tpu.enqueue_dma source(%arg2 : memref<5x256xf32, #tpu.memory_space<hbm>>) target(%arg5 : memref<5x256xf32, #tpu.memory_space<vmem>>) target_semaphore(%run_scoped3A : memref<!tpu.dma_semaphore, #tpu.memory_space<semaphore_mem>>)
      tpu.wait_dma2 semaphore(%run_scoped3A : memref<!tpu.dma_semaphore, #tpu.memory_space<semaphore_mem>>) src(%arg2 : memref<5x256xf32, #tpu.memory_space<hbm>>) dst(%arg5 : memref<5x256xf32, #tpu.memory_space<vmem>>)
      tpu.yield
    }) : () -> ()
    %jit3A = arith.constant 8192 : i32
    %div3A = arith.divsi %mul3A_2, %jit3A : i32
    %sign3A = arith.constant 0 : i32
    %sign3A_3 = arith.cmpi sgt, %mul3A_2, %sign3A : i32
    %sign3A_4 = arith.extui %sign3A_3 : i1 to i32
    %sign3A_5 = arith.constant 0 : i32
    %sign3A_6 = arith.cmpi slt, %mul3A_2, %sign3A_5 : i32
    %sign3A_7 = arith.extui %sign3A_6 : i1 to i32
    %sign3A_8 = arith.subi %sign3A_4, %sign3A_7 : i32
    %sign3A_9 = arith.constant 0 : i32
    %sign3A_10 = arith.cmpi sgt, %jit3A, %sign3A_9 : i32
    %sign3A_11 = arith.extui %sign3A_10 : i1 to i32
    %sign3A_12 = arith.constant 0 : i32
    %sign3A_13 = arith.cmpi slt, %jit3A, %sign3A_12 : i32
    %sign3A_14 = arith.extui %sign3A_13 : i1 to i32
    %sign3A_15 = arith.subi %sign3A_11, %sign3A_14 : i32
    %ne3A = arith.cmpi ne, %sign3A_8, %sign3A_15 : i32
    %rem3A = arith.remsi %mul3A_2, %jit3A : i32
    %ne3A_16 = arith.constant 0 : i32
    %ne3A_17 = arith.cmpi ne, %rem3A, %ne3A_16 : i32
    %and3A = arith.andi %ne3A, %ne3A_17 : i1
    %sub3A = arith.constant 1 : i32
    %sub3A_18 = arith.subi %div3A, %sub3A : i32
    %select_n3A = arith.select %and3A, %sub3A_18, %div3A : i32
    %jit3A_19 = arith.constant 8192 : i32
    %eq3A = arith.constant 0 : i32
    %eq3A_20 = arith.cmpi eq, %jit3A_19, %eq3A : i32
    %jit3A_21 = arith.constant 1 : i32
    %select_n3A_22 = arith.select %eq3A_20, %jit3A_21, %jit3A_19 : i32
    %rem3A_23 = arith.remsi %mul3A_2, %select_n3A_22 : i32
    %ne3A_24 = arith.constant 0 : i32
    %ne3A_25 = arith.cmpi ne, %rem3A_23, %ne3A_24 : i32
    %lt3A = arith.constant 0 : i32
    %lt3A_26 = arith.cmpi slt, %rem3A_23, %lt3A : i32
    %lt3A_27 = arith.constant 0 : i32
    %lt3A_28 = arith.cmpi slt, %select_n3A_22, %lt3A_27 : i32
    %ne3A_29 = arith.xori %lt3A_26, %lt3A_28 : i1
    %and3A_30 = arith.andi %ne3A_29, %ne3A_25 : i1
    %add3A_31 = arith.addi %rem3A_23, %select_n3A_22 : i32
    %select_n3A_32 = arith.select %and3A_30, %add3A_31, %rem3A_23 : i32
    "tpu.region"() ({
      %run_scoped3A = tpu.sem_alloc : memref<!tpu.dma_semaphore, #tpu.memory_space<semaphore_mem>>
      %dma_start3A = tpu.memref_slice %arg3[%select_n3A, %select_n3A_32] : memref<4x8192xi32, #tpu.memory_space<hbm>> -> memref<1x1024xi32, #tpu.memory_space<hbm>>
      %dma_start3A_85 = tpu.memref_squeeze %dma_start3A : memref<1x1024xi32, #tpu.memory_space<hbm>> -> memref<1024xi32, #tpu.memory_space<hbm>>
      %dma_start3A_86 = tpu.memref_slice %arg3[%select_n3A, %select_n3A_32] : memref<4x8192xi32, #tpu.memory_space<hbm>> -> memref<1x1024xi32, #tpu.memory_space<hbm>>
      %dma_start3A_87 = tpu.memref_squeeze %dma_start3A_86 : memref<1x1024xi32, #tpu.memory_space<hbm>> -> memref<1024xi32, #tpu.memory_space<hbm>>
      tpu.enqueue_dma source(%dma_start3A_87 : memref<1024xi32, #tpu.memory_space<hbm>>) target(%arg6 : memref<1024xi32, #tpu.memory_space<vmem>>) target_semaphore(%run_scoped3A : memref<!tpu.dma_semaphore, #tpu.memory_space<semaphore_mem>>)
      %dma_wait3A_88 = tpu.memref_slice %arg3[%select_n3A, %select_n3A_32] : memref<4x8192xi32, #tpu.memory_space<hbm>> -> memref<1x1024xi32, #tpu.memory_space<hbm>>
      %dma_wait3A_89 = tpu.memref_squeeze %dma_wait3A_88 : memref<1x1024xi32, #tpu.memory_space<hbm>> -> memref<1024xi32, #tpu.memory_space<hbm>>
      %dma_wait3A_90 = tpu.memref_slice %arg3[%select_n3A, %select_n3A_32] : memref<4x8192xi32, #tpu.memory_space<hbm>> -> memref<1x1024xi32, #tpu.memory_space<hbm>>
      %dma_wait3A_91 = tpu.memref_squeeze %dma_wait3A_90 : memref<1x1024xi32, #tpu.memory_space<hbm>> -> memref<1024xi32, #tpu.memory_space<hbm>>
      tpu.wait_dma2 semaphore(%run_scoped3A : memref<!tpu.dma_semaphore, #tpu.memory_space<semaphore_mem>>) src(%dma_wait3A_91 : memref<1024xi32, #tpu.memory_space<hbm>>) dst(%arg6 : memref<1024xi32, #tpu.memory_space<vmem>>)
      tpu.yield
    }) : () -> ()
    %scan3A = arith.constant 0 : i32
    %scan3A_33 = arith.constant 0 : i32
    %scan3A_34 = arith.constant 64 : i32
    %scan3A_35 = arith.addi %scan3A_33, %scan3A_34 : i32
    %scan3A_36 = arith.constant 1 : i32
    scf.for %scan3A_85 = %scan3A_33 to %scan3A_35 step %scan3A_36  : i32 {
      %mul3A_86 = arith.constant 16 : i32
      %mul3A_87 = arith.muli %scan3A_85, %mul3A_86 : i32
      %get3A = arith.index_cast %mul3A_87 : i32 to index
      %get3A_88 = tpu.vector_load %arg6[%get3A] {strides = array<i32>} : memref<1024xi32, #tpu.memory_space<vmem>>, vector<16xi32>,
      %get3A_89 = vector.shape_cast %get3A_88 : vector<16xi32> to vector<16xi32>
      %slice3A = vector.extract_strided_slice %get3A_89 {offsets = [0], sizes = [1], strides = [1]} : vector<16xi32> to vector<1xi32>
      %squeeze3A = vector.extract %slice3A[0] : i32 from vector<1xi32>
      %mul3A_90 = arith.constant 16 : i32
      %mul3A_91 = arith.muli %scan3A_85, %mul3A_90 : i32
      %add3A_92 = arith.addi %mul3A_2, %mul3A_91 : i32
      %add3A_93 = arith.constant 0 : i32
      %add3A_94 = arith.addi %add3A_92, %add3A_93 : i32
      %dma_start3A = arith.constant 0 : i32
      %dma_start3A_95 = tpu.memref_slice %arg5[%squeeze3A, %dma_start3A] : memref<5x256xf32, #tpu.memory_space<vmem>> -> memref<1x256xf32, #tpu.memory_space<vmem>>
      %dma_start3A_96 = tpu.memref_squeeze %dma_start3A_95 : memref<1x256xf32, #tpu.memory_space<vmem>> -> memref<256xf32, #tpu.memory_space<vmem>>
      %dma_start3A_97 = arith.constant 0 : i32
      %dma_start3A_98 = tpu.memref_slice %arg4[%add3A_94, %dma_start3A_97] : memref<32768x256xf32, #tpu.memory_space<hbm>> -> memref<1x256xf32, #tpu.memory_space<hbm>>
      %dma_start3A_99 = tpu.memref_squeeze %dma_start3A_98 : memref<1x256xf32, #tpu.memory_space<hbm>> -> memref<256xf32, #tpu.memory_space<hbm>>
      %dma_start3A_100 = arith.constant 0 : i32
      %dma_start3A_101 = tpu.memref_slice %arg4[%add3A_94, %dma_start3A_100] : memref<32768x256xf32, #tpu.memory_space<hbm>> -> memref<1x256xf32, #tpu.memory_space<hbm>>
      %dma_start3A_102 = tpu.memref_squeeze %dma_start3A_101 : memref<1x256xf32, #tpu.memory_space<hbm>> -> memref<256xf32, #tpu.memory_space<hbm>>
      %dma_start3A_103 = arith.constant 0 : i32
      %dma_start3A_104 = tpu.memref_slice %arg5[%squeeze3A, %dma_start3A_103] : memref<5x256xf32, #tpu.memory_space<vmem>> -> memref<1x256xf32, #tpu.memory_space<vmem>>
      %dma_start3A_105 = tpu.memref_squeeze %dma_start3A_104 : memref<1x256xf32, #tpu.memory_space<vmem>> -> memref<256xf32, #tpu.memory_space<vmem>>
      tpu.enqueue_dma source(%dma_start3A_105 : memref<256xf32, #tpu.memory_space<vmem>>) target(%dma_start3A_102 : memref<256xf32, #tpu.memory_space<hbm>>) target_semaphore(%arg8 : memref<!tpu.dma_semaphore, #tpu.memory_space<semaphore_mem>>)
      %slice3A_106 = vector.extract_strided_slice %get3A_89 {offsets = [1], sizes = [1], strides = [1]} : vector<16xi32> to vector<1xi32>
      %squeeze3A_107 = vector.extract %slice3A_106[0] : i32 from vector<1xi32>
      %mul3A_108 = arith.constant 16 : i32
      %mul3A_109 = arith.muli %scan3A_85, %mul3A_108 : i32
      %add3A_110 = arith.addi %mul3A_2, %mul3A_109 : i32
      %add3A_111 = arith.constant 1 : i32
      %add3A_112 = arith.addi %add3A_110, %add3A_111 : i32
      %dma_start3A_113 = arith.constant 0 : i32
      %dma_start3A_114 = tpu.memref_slice %arg5[%squeeze3A_107, %dma_start3A_113] : memref<5x256xf32, #tpu.memory_space<vmem>> -> memref<1x256xf32, #tpu.memory_space<vmem>>
      %dma_start3A_115 = tpu.memref_squeeze %dma_start3A_114 : memref<1x256xf32, #tpu.memory_space<vmem>> -> memref<256xf32, #tpu.memory_space<vmem>>
      %dma_start3A_116 = arith.constant 0 : i32
      %dma_start3A_117 = tpu.memref_slice %arg4[%add3A_112, %dma_start3A_116] : memref<32768x256xf32, #tpu.memory_space<hbm>> -> memref<1x256xf32, #tpu.memory_space<hbm>>
      %dma_start3A_118 = tpu.memref_squeeze %dma_start3A_117 : memref<1x256xf32, #tpu.memory_space<hbm>> -> memref<256xf32, #tpu.memory_space<hbm>>
      %dma_start3A_119 = arith.constant 0 : i32
      %dma_start3A_120 = tpu.memref_slice %arg4[%add3A_112, %dma_start3A_119] : memref<32768x256xf32, #tpu.memory_space<hbm>> -> memref<1x256xf32, #tpu.memory_space<hbm>>
      %dma_start3A_121 = tpu.memref_squeeze %dma_start3A_120 : memref<1x256xf32, #tpu.memory_space<hbm>> -> memref<256xf32, #tpu.memory_space<hbm>>
      %dma_start3A_122 = arith.constant 0 : i32
      %dma_start3A_123 = tpu.memref_slice %arg5[%squeeze3A_107, %dma_start3A_122] : memref<5x256xf32, #tpu.memory_space<vmem>> -> memref<1x256xf32, #tpu.memory_space<vmem>>
      %dma_start3A_124 = tpu.memref_squeeze %dma_start3A_123 : memref<1x256xf32, #tpu.memory_space<vmem>> -> memref<256xf32, #tpu.memory_space<vmem>>
      tpu.enqueue_dma source(%dma_start3A_124 : memref<256xf32, #tpu.memory_space<vmem>>) target(%dma_start3A_121 : memref<256xf32, #tpu.memory_space<hbm>>) target_semaphore(%arg8 : memref<!tpu.dma_semaphore, #tpu.memory_space<semaphore_mem>>)
      %slice3A_125 = vector.extract_strided_slice %get3A_89 {offsets = [2], sizes = [1], strides = [1]} : vector<16xi32> to vector<1xi32>
      %squeeze3A_126 = vector.extract %slice3A_125[0] : i32 from vector<1xi32>
      %mul3A_127 = arith.constant 16 : i32
      %mul3A_128 = arith.muli %scan3A_85, %mul3A_127 : i32
      %add3A_129 = arith.addi %mul3A_2, %mul3A_128 : i32
      %add3A_130 = arith.constant 2 : i32
      %add3A_131 = arith.addi %add3A_129, %add3A_130 : i32
      %dma_start3A_132 = arith.constant 0 : i32
      %dma_start3A_133 = tpu.memref_slice %arg5[%squeeze3A_126, %dma_start3A_132] : memref<5x256xf32, #tpu.memory_space<vmem>> -> memref<1x256xf32, #tpu.memory_space<vmem>>
      %dma_start3A_134 = tpu.memref_squeeze %dma_start3A_133 : memref<1x256xf32, #tpu.memory_space<vmem>> -> memref<256xf32, #tpu.memory_space<vmem>>
      %dma_start3A_135 = arith.constant 0 : i32
      %dma_start3A_136 = tpu.memref_slice %arg4[%add3A_131, %dma_start3A_135] : memref<32768x256xf32, #tpu.memory_space<hbm>> -> memref<1x256xf32, #tpu.memory_space<hbm>>
      %dma_start3A_137 = tpu.memref_squeeze %dma_start3A_136 : memref<1x256xf32, #tpu.memory_space<hbm>> -> memref<256xf32, #tpu.memory_space<hbm>>
      %dma_start3A_138 = arith.constant 0 : i32
      %dma_start3A_139 = tpu.memref_slice %arg4[%add3A_131, %dma_start3A_138] : memref<32768x256xf32, #tpu.memory_space<hbm>> -> memref<1x256xf32, #tpu.memory_space<hbm>>
      %dma_start3A_140 = tpu.memref_squeeze %dma_start3A_139 : memref<1x256xf32, #tpu.memory_space<hbm>> -> memref<256xf32, #tpu.memory_space<hbm>>
      %dma_start3A_141 = arith.constant 0 : i32
      %dma_start3A_142 = tpu.memref_slice %arg5[%squeeze3A_126, %dma_start3A_141] : memref<5x256xf32, #tpu.memory_space<vmem>> -> memref<1x256xf32, #tpu.memory_space<vmem>>
      %dma_start3A_143 = tpu.memref_squeeze %dma_start3A_142 : memref<1x256xf32, #tpu.memory_space<vmem>> -> memref<256xf32, #tpu.memory_space<vmem>>
      tpu.enqueue_dma source(%dma_start3A_143 : memref<256xf32, #tpu.memory_space<vmem>>) target(%dma_start3A_140 : memref<256xf32, #tpu.memory_space<hbm>>) target_semaphore(%arg8 : memref<!tpu.dma_semaphore, #tpu.memory_space<semaphore_mem>>)
      %slice3A_144 = vector.extract_strided_slice %get3A_89 {offsets = [3], sizes = [1], strides = [1]} : vector<16xi32> to vector<1xi32>
      %squeeze3A_145 = vector.extract %slice3A_144[0] : i32 from vector<1xi32>
      %mul3A_146 = arith.constant 16 : i32
      %mul3A_147 = arith.muli %scan3A_85, %mul3A_146 : i32
      %add3A_148 = arith.addi %mul3A_2, %mul3A_147 : i32
      %add3A_149 = arith.constant 3 : i32
      %add3A_150 = arith.addi %add3A_148, %add3A_149 : i32
      %dma_start3A_151 = arith.constant 0 : i32
      %dma_start3A_152 = tpu.memref_slice %arg5[%squeeze3A_145, %dma_start3A_151] : memref<5x256xf32, #tpu.memory_space<vmem>> -> memref<1x256xf32, #tpu.memory_space<vmem>>
      %dma_start3A_153 = tpu.memref_squeeze %dma_start3A_152 : memref<1x256xf32, #tpu.memory_space<vmem>> -> memref<256xf32, #tpu.memory_space<vmem>>
      %dma_start3A_154 = arith.constant 0 : i32
      %dma_start3A_155 = tpu.memref_slice %arg4[%add3A_150, %dma_start3A_154] : memref<32768x256xf32, #tpu.memory_space<hbm>> -> memref<1x256xf32, #tpu.memory_space<hbm>>
      %dma_start3A_156 = tpu.memref_squeeze %dma_start3A_155 : memref<1x256xf32, #tpu.memory_space<hbm>> -> memref<256xf32, #tpu.memory_space<hbm>>
      %dma_start3A_157 = arith.constant 0 : i32
      %dma_start3A_158 = tpu.memref_slice %arg4[%add3A_150, %dma_start3A_157] : memref<32768x256xf32, #tpu.memory_space<hbm>> -> memref<1x256xf32, #tpu.memory_space<hbm>>
      %dma_start3A_159 = tpu.memref_squeeze %dma_start3A_158 : memref<1x256xf32, #tpu.memory_space<hbm>> -> memref<256xf32, #tpu.memory_space<hbm>>
      %dma_start3A_160 = arith.constant 0 : i32
      %dma_start3A_161 = tpu.memref_slice %arg5[%squeeze3A_145, %dma_start3A_160] : memref<5x256xf32, #tpu.memory_space<vmem>> -> memref<1x256xf32, #tpu.memory_space<vmem>>
      %dma_start3A_162 = tpu.memref_squeeze %dma_start3A_161 : memref<1x256xf32, #tpu.memory_space<vmem>> -> memref<256xf32, #tpu.memory_space<vmem>>
      tpu.enqueue_dma source(%dma_start3A_162 : memref<256xf32, #tpu.memory_space<vmem>>) target(%dma_start3A_159 : memref<256xf32, #tpu.memory_space<hbm>>) target_semaphore(%arg8 : memref<!tpu.dma_semaphore, #tpu.memory_space<semaphore_mem>>)
      %slice3A_163 = vector.extract_strided_slice %get3A_89 {offsets = [4], sizes = [1], strides = [1]} : vector<16xi32> to vector<1xi32>
      %squeeze3A_164 = vector.extract %slice3A_163[0] : i32 from vector<1xi32>
      %mul3A_165 = arith.constant 16 : i32
      %mul3A_166 = arith.muli %scan3A_85, %mul3A_165 : i32
      %add3A_167 = arith.addi %mul3A_2, %mul3A_166 : i32
      %add3A_168 = arith.constant 4 : i32
      %add3A_169 = arith.addi %add3A_167, %add3A_168 : i32
      %dma_start3A_170 = arith.constant 0 : i32
      %dma_start3A_171 = tpu.memref_slice %arg5[%squeeze3A_164, %dma_start3A_170] : memref<5x256xf32, #tpu.memory_space<vmem>> -> memref<1x256xf32, #tpu.memory_space<vmem>>
      %dma_start3A_172 = tpu.memref_squeeze %dma_start3A_171 : memref<1x256xf32, #tpu.memory_space<vmem>> -> memref<256xf32, #tpu.memory_space<vmem>>
      %dma_start3A_173 = arith.constant 0 : i32
      %dma_start3A_174 = tpu.memref_slice %arg4[%add3A_169, %dma_start3A_173] : memref<32768x256xf32, #tpu.memory_space<hbm>> -> memref<1x256xf32, #tpu.memory_space<hbm>>
      %dma_start3A_175 = tpu.memref_squeeze %dma_start3A_174 : memref<1x256xf32, #tpu.memory_space<hbm>> -> memref<256xf32, #tpu.memory_space<hbm>>
      %dma_start3A_176 = arith.constant 0 : i32
      %dma_start3A_177 = tpu.memref_slice %arg4[%add3A_169, %dma_start3A_176] : memref<32768x256xf32, #tpu.memory_space<hbm>> -> memref<1x256xf32, #tpu.memory_space<hbm>>
      %dma_start3A_178 = tpu.memref_squeeze %dma_start3A_177 : memref<1x256xf32, #tpu.memory_space<hbm>> -> memref<256xf32, #tpu.memory_space<hbm>>
      %dma_start3A_179 = arith.constant 0 : i32
      %dma_start3A_180 = tpu.memref_slice %arg5[%squeeze3A_164, %dma_start3A_179] : memref<5x256xf32, #tpu.memory_space<vmem>> -> memref<1x256xf32, #tpu.memory_space<vmem>>
      %dma_start3A_181 = tpu.memref_squeeze %dma_start3A_180 : memref<1x256xf32, #tpu.memory_space<vmem>> -> memref<256xf32, #tpu.memory_space<vmem>>
      tpu.enqueue_dma source(%dma_start3A_181 : memref<256xf32, #tpu.memory_space<vmem>>) target(%dma_start3A_178 : memref<256xf32, #tpu.memory_space<hbm>>) target_semaphore(%arg8 : memref<!tpu.dma_semaphore, #tpu.memory_space<semaphore_mem>>)
      %slice3A_182 = vector.extract_strided_slice %get3A_89 {offsets = [5], sizes = [1], strides = [1]} : vector<16xi32> to vector<1xi32>
      %squeeze3A_183 = vector.extract %slice3A_182[0] : i32 from vector<1xi32>
      %mul3A_184 = arith.constant 16 : i32
      %mul3A_185 = arith.muli %scan3A_85, %mul3A_184 : i32
      %add3A_186 = arith.addi %mul3A_2, %mul3A_185 : i32
      %add3A_187 = arith.constant 5 : i32
      %add3A_188 = arith.addi %add3A_186, %add3A_187 : i32
      %dma_start3A_189 = arith.constant 0 : i32
      %dma_start3A_190 = tpu.memref_slice %arg5[%squeeze3A_183, %dma_start3A_189] : memref<5x256xf32, #tpu.memory_space<vmem>> -> memref<1x256xf32, #tpu.memory_space<vmem>>
      %dma_start3A_191 = tpu.memref_squeeze %dma_start3A_190 : memref<1x256xf32, #tpu.memory_space<vmem>> -> memref<256xf32, #tpu.memory_space<vmem>>
      %dma_start3A_192 = arith.constant 0 : i32
      %dma_start3A_193 = tpu.memref_slice %arg4[%add3A_188, %dma_start3A_192] : memref<32768x256xf32, #tpu.memory_space<hbm>> -> memref<1x256xf32, #tpu.memory_space<hbm>>
      %dma_start3A_194 = tpu.memref_squeeze %dma_start3A_193 : memref<1x256xf32, #tpu.memory_space<hbm>> -> memref<256xf32, #tpu.memory_space<hbm>>
      %dma_start3A_195 = arith.constant 0 : i32
      %dma_start3A_196 = tpu.memref_slice %arg4[%add3A_188, %dma_start3A_195] : memref<32768x256xf32, #tpu.memory_space<hbm>> -> memref<1x256xf32, #tpu.memory_space<hbm>>
      %dma_start3A_197 = tpu.memref_squeeze %dma_start3A_196 : memref<1x256xf32, #tpu.memory_space<hbm>> -> memref<256xf32, #tpu.memory_space<hbm>>
      %dma_start3A_198 = arith.constant 0 : i32
      %dma_start3A_199 = tpu.memref_slice %arg5[%squeeze3A_183, %dma_start3A_198] : memref<5x256xf32, #tpu.memory_space<vmem>> -> memref<1x256xf32, #tpu.memory_space<vmem>>
      %dma_start3A_200 = tpu.memref_squeeze %dma_start3A_199 : memref<1x256xf32, #tpu.memory_space<vmem>> -> memref<256xf32, #tpu.memory_space<vmem>>
      tpu.enqueue_dma source(%dma_start3A_200 : memref<256xf32, #tpu.memory_space<vmem>>) target(%dma_start3A_197 : memref<256xf32, #tpu.memory_space<hbm>>) target_semaphore(%arg8 : memref<!tpu.dma_semaphore, #tpu.memory_space<semaphore_mem>>)
      %slice3A_201 = vector.extract_strided_slice %get3A_89 {offsets = [6], sizes = [1], strides = [1]} : vector<16xi32> to vector<1xi32>
      %squeeze3A_202 = vector.extract %slice3A_201[0] : i32 from vector<1xi32>
      %mul3A_203 = arith.constant 16 : i32
      %mul3A_204 = arith.muli %scan3A_85, %mul3A_203 : i32
      %add3A_205 = arith.addi %mul3A_2, %mul3A_204 : i32
      %add3A_206 = arith.constant 6 : i32
      %add3A_207 = arith.addi %add3A_205, %add3A_206 : i32
      %dma_start3A_208 = arith.constant 0 : i32
      %dma_start3A_209 = tpu.memref_slice %arg5[%squeeze3A_202, %dma_start3A_208] : memref<5x256xf32, #tpu.memory_space<vmem>> -> memref<1x256xf32, #tpu.memory_space<vmem>>
      %dma_start3A_210 = tpu.memref_squeeze %dma_start3A_209 : memref<1x256xf32, #tpu.memory_space<vmem>> -> memref<256xf32, #tpu.memory_space<vmem>>
      %dma_start3A_211 = arith.constant 0 : i32
      %dma_start3A_212 = tpu.memref_slice %arg4[%add3A_207, %dma_start3A_211] : memref<32768x256xf32, #tpu.memory_space<hbm>> -> memref<1x256xf32, #tpu.memory_space<hbm>>
      %dma_start3A_213 = tpu.memref_squeeze %dma_start3A_212 : memref<1x256xf32, #tpu.memory_space<hbm>> -> memref<256xf32, #tpu.memory_space<hbm>>
      %dma_start3A_214 = arith.constant 0 : i32
      %dma_start3A_215 = tpu.memref_slice %arg4[%add3A_207, %dma_start3A_214] : memref<32768x256xf32, #tpu.memory_space<hbm>> -> memref<1x256xf32, #tpu.memory_space<hbm>>
      %dma_start3A_216 = tpu.memref_squeeze %dma_start3A_215 : memref<1x256xf32, #tpu.memory_space<hbm>> -> memref<256xf32, #tpu.memory_space<hbm>>
      %dma_start3A_217 = arith.constant 0 : i32
      %dma_start3A_218 = tpu.memref_slice %arg5[%squeeze3A_202, %dma_start3A_217] : memref<5x256xf32, #tpu.memory_space<vmem>> -> memref<1x256xf32, #tpu.memory_space<vmem>>
      %dma_start3A_219 = tpu.memref_squeeze %dma_start3A_218 : memref<1x256xf32, #tpu.memory_space<vmem>> -> memref<256xf32, #tpu.memory_space<vmem>>
      tpu.enqueue_dma source(%dma_start3A_219 : memref<256xf32, #tpu.memory_space<vmem>>) target(%dma_start3A_216 : memref<256xf32, #tpu.memory_space<hbm>>) target_semaphore(%arg8 : memref<!tpu.dma_semaphore, #tpu.memory_space<semaphore_mem>>)
      %slice3A_220 = vector.extract_strided_slice %get3A_89 {offsets = [7], sizes = [1], strides = [1]} : vector<16xi32> to vector<1xi32>
      %squeeze3A_221 = vector.extract %slice3A_220[0] : i32 from vector<1xi32>
      %mul3A_222 = arith.constant 16 : i32
      %mul3A_223 = arith.muli %scan3A_85, %mul3A_222 : i32
      %add3A_224 = arith.addi %mul3A_2, %mul3A_223 : i32
      %add3A_225 = arith.constant 7 : i32
      %add3A_226 = arith.addi %add3A_224, %add3A_225 : i32
      %dma_start3A_227 = arith.constant 0 : i32
      %dma_start3A_228 = tpu.memref_slice %arg5[%squeeze3A_221, %dma_start3A_227] : memref<5x256xf32, #tpu.memory_space<vmem>> -> memref<1x256xf32, #tpu.memory_space<vmem>>
      %dma_start3A_229 = tpu.memref_squeeze %dma_start3A_228 : memref<1x256xf32, #tpu.memory_space<vmem>> -> memref<256xf32, #tpu.memory_space<vmem>>
      %dma_start3A_230 = arith.constant 0 : i32
      %dma_start3A_231 = tpu.memref_slice %arg4[%add3A_226, %dma_start3A_230] : memref<32768x256xf32, #tpu.memory_space<hbm>> -> memref<1x256xf32, #tpu.memory_space<hbm>>
      %dma_start3A_232 = tpu.memref_squeeze %dma_start3A_231 : memref<1x256xf32, #tpu.memory_space<hbm>> -> memref<256xf32, #tpu.memory_space<hbm>>
      %dma_start3A_233 = arith.constant 0 : i32
      %dma_start3A_234 = tpu.memref_slice %arg4[%add3A_226, %dma_start3A_233] : memref<32768x256xf32, #tpu.memory_space<hbm>> -> memref<1x256xf32, #tpu.memory_space<hbm>>
      %dma_start3A_235 = tpu.memref_squeeze %dma_start3A_234 : memref<1x256xf32, #tpu.memory_space<hbm>> -> memref<256xf32, #tpu.memory_space<hbm>>
      %dma_start3A_236 = arith.constant 0 : i32
      %dma_start3A_237 = tpu.memref_slice %arg5[%squeeze3A_221, %dma_start3A_236] : memref<5x256xf32, #tpu.memory_space<vmem>> -> memref<1x256xf32, #tpu.memory_space<vmem>>
      %dma_start3A_238 = tpu.memref_squeeze %dma_start3A_237 : memref<1x256xf32, #tpu.memory_space<vmem>> -> memref<256xf32, #tpu.memory_space<vmem>>
      tpu.enqueue_dma source(%dma_start3A_238 : memref<256xf32, #tpu.memory_space<vmem>>) target(%dma_start3A_235 : memref<256xf32, #tpu.memory_space<hbm>>) target_semaphore(%arg8 : memref<!tpu.dma_semaphore, #tpu.memory_space<semaphore_mem>>)
      %slice3A_239 = vector.extract_strided_slice %get3A_89 {offsets = [8], sizes = [1], strides = [1]} : vector<16xi32> to vector<1xi32>
      %squeeze3A_240 = vector.extract %slice3A_239[0] : i32 from vector<1xi32>
      %mul3A_241 = arith.constant 16 : i32
      %mul3A_242 = arith.muli %scan3A_85, %mul3A_241 : i32
      %add3A_243 = arith.addi %mul3A_2, %mul3A_242 : i32
      %add3A_244 = arith.constant 8 : i32
      %add3A_245 = arith.addi %add3A_243, %add3A_244 : i32
      %dma_start3A_246 = arith.constant 0 : i32
      %dma_start3A_247 = tpu.memref_slice %arg5[%squeeze3A_240, %dma_start3A_246] : memref<5x256xf32, #tpu.memory_space<vmem>> -> memref<1x256xf32, #tpu.memory_space<vmem>>
      %dma_start3A_248 = tpu.memref_squeeze %dma_start3A_247 : memref<1x256xf32, #tpu.memory_space<vmem>> -> memref<256xf32, #tpu.memory_space<vmem>>
      %dma_start3A_249 = arith.constant 0 : i32
      %dma_start3A_250 = tpu.memref_slice %arg4[%add3A_245, %dma_start3A_249] : memref<32768x256xf32, #tpu.memory_space<hbm>> -> memref<1x256xf32, #tpu.memory_space<hbm>>
      %dma_start3A_251 = tpu.memref_squeeze %dma_start3A_250 : memref<1x256xf32, #tpu.memory_space<hbm>> -> memref<256xf32, #tpu.memory_space<hbm>>
      %dma_start3A_252 = arith.constant 0 : i32
      %dma_start3A_253 = tpu.memref_slice %arg4[%add3A_245, %dma_start3A_252] : memref<32768x256xf32, #tpu.memory_space<hbm>> -> memref<1x256xf32, #tpu.memory_space<hbm>>
      %dma_start3A_254 = tpu.memref_squeeze %dma_start3A_253 : memref<1x256xf32, #tpu.memory_space<hbm>> -> memref<256xf32, #tpu.memory_space<hbm>>
      %dma_start3A_255 = arith.constant 0 : i32
      %dma_start3A_256 = tpu.memref_slice %arg5[%squeeze3A_240, %dma_start3A_255] : memref<5x256xf32, #tpu.memory_space<vmem>> -> memref<1x256xf32, #tpu.memory_space<vmem>>
      %dma_start3A_257 = tpu.memref_squeeze %dma_start3A_256 : memref<1x256xf32, #tpu.memory_space<vmem>> -> memref<256xf32, #tpu.memory_space<vmem>>
      tpu.enqueue_dma source(%dma_start3A_257 : memref<256xf32, #tpu.memory_space<vmem>>) target(%dma_start3A_254 : memref<256xf32, #tpu.memory_space<hbm>>) target_semaphore(%arg8 : memref<!tpu.dma_semaphore, #tpu.memory_space<semaphore_mem>>)
      %slice3A_258 = vector.extract_strided_slice %get3A_89 {offsets = [9], sizes = [1], strides = [1]} : vector<16xi32> to vector<1xi32>
      %squeeze3A_259 = vector.extract %slice3A_258[0] : i32 from vector<1xi32>
      %mul3A_260 = arith.constant 16 : i32
      %mul3A_261 = arith.muli %scan3A_85, %mul3A_260 : i32
      %add3A_262 = arith.addi %mul3A_2, %mul3A_261 : i32
      %add3A_263 = arith.constant 9 : i32
      %add3A_264 = arith.addi %add3A_262, %add3A_263 : i32
      %dma_start3A_265 = arith.constant 0 : i32
      %dma_start3A_266 = tpu.memref_slice %arg5[%squeeze3A_259, %dma_start3A_265] : memref<5x256xf32, #tpu.memory_space<vmem>> -> memref<1x256xf32, #tpu.memory_space<vmem>>
      %dma_start3A_267 = tpu.memref_squeeze %dma_start3A_266 : memref<1x256xf32, #tpu.memory_space<vmem>> -> memref<256xf32, #tpu.memory_space<vmem>>
      %dma_start3A_268 = arith.constant 0 : i32
      %dma_start3A_269 = tpu.memref_slice %arg4[%add3A_264, %dma_start3A_268] : memref<32768x256xf32, #tpu.memory_space<hbm>> -> memref<1x256xf32, #tpu.memory_space<hbm>>
      %dma_start3A_270 = tpu.memref_squeeze %dma_start3A_269 : memref<1x256xf32, #tpu.memory_space<hbm>> -> memref<256xf32, #tpu.memory_space<hbm>>
      %dma_start3A_271 = arith.constant 0 : i32
      %dma_start3A_272 = tpu.memref_slice %arg4[%add3A_264, %dma_start3A_271] : memref<32768x256xf32, #tpu.memory_space<hbm>> -> memref<1x256xf32, #tpu.memory_space<hbm>>
      %dma_start3A_273 = tpu.memref_squeeze %dma_start3A_272 : memref<1x256xf32, #tpu.memory_space<hbm>> -> memref<256xf32, #tpu.memory_space<hbm>>
      %dma_start3A_274 = arith.constant 0 : i32
      %dma_start3A_275 = tpu.memref_slice %arg5[%squeeze3A_259, %dma_start3A_274] : memref<5x256xf32, #tpu.memory_space<vmem>> -> memref<1x256xf32, #tpu.memory_space<vmem>>
      %dma_start3A_276 = tpu.memref_squeeze %dma_start3A_275 : memref<1x256xf32, #tpu.memory_space<vmem>> -> memref<256xf32, #tpu.memory_space<vmem>>
      tpu.enqueue_dma source(%dma_start3A_276 : memref<256xf32, #tpu.memory_space<vmem>>) target(%dma_start3A_273 : memref<256xf32, #tpu.memory_space<hbm>>) target_semaphore(%arg8 : memref<!tpu.dma_semaphore, #tpu.memory_space<semaphore_mem>>)
      %slice3A_277 = vector.extract_strided_slice %get3A_89 {offsets = [10], sizes = [1], strides = [1]} : vector<16xi32> to vector<1xi32>
      %squeeze3A_278 = vector.extract %slice3A_277[0] : i32 from vector<1xi32>
      %mul3A_279 = arith.constant 16 : i32
      %mul3A_280 = arith.muli %scan3A_85, %mul3A_279 : i32
      %add3A_281 = arith.addi %mul3A_2, %mul3A_280 : i32
      %add3A_282 = arith.constant 10 : i32
      %add3A_283 = arith.addi %add3A_281, %add3A_282 : i32
      %dma_start3A_284 = arith.constant 0 : i32
      %dma_start3A_285 = tpu.memref_slice %arg5[%squeeze3A_278, %dma_start3A_284] : memref<5x256xf32, #tpu.memory_space<vmem>> -> memref<1x256xf32, #tpu.memory_space<vmem>>
      %dma_start3A_286 = tpu.memref_squeeze %dma_start3A_285 : memref<1x256xf32, #tpu.memory_space<vmem>> -> memref<256xf32, #tpu.memory_space<vmem>>
      %dma_start3A_287 = arith.constant 0 : i32
      %dma_start3A_288 = tpu.memref_slice %arg4[%add3A_283, %dma_start3A_287] : memref<32768x256xf32, #tpu.memory_space<hbm>> -> memref<1x256xf32, #tpu.memory_space<hbm>>
      %dma_start3A_289 = tpu.memref_squeeze %dma_start3A_288 : memref<1x256xf32, #tpu.memory_space<hbm>> -> memref<256xf32, #tpu.memory_space<hbm>>
      %dma_start3A_290 = arith.constant 0 : i32
      %dma_start3A_291 = tpu.memref_slice %arg4[%add3A_283, %dma_start3A_290] : memref<32768x256xf32, #tpu.memory_space<hbm>> -> memref<1x256xf32, #tpu.memory_space<hbm>>
      %dma_start3A_292 = tpu.memref_squeeze %dma_start3A_291 : memref<1x256xf32, #tpu.memory_space<hbm>> -> memref<256xf32, #tpu.memory_space<hbm>>
      %dma_start3A_293 = arith.constant 0 : i32
      %dma_start3A_294 = tpu.memref_slice %arg5[%squeeze3A_278, %dma_start3A_293] : memref<5x256xf32, #tpu.memory_space<vmem>> -> memref<1x256xf32, #tpu.memory_space<vmem>>
      %dma_start3A_295 = tpu.memref_squeeze %dma_start3A_294 : memref<1x256xf32, #tpu.memory_space<vmem>> -> memref<256xf32, #tpu.memory_space<vmem>>
      tpu.enqueue_dma source(%dma_start3A_295 : memref<256xf32, #tpu.memory_space<vmem>>) target(%dma_start3A_292 : memref<256xf32, #tpu.memory_space<hbm>>) target_semaphore(%arg8 : memref<!tpu.dma_semaphore, #tpu.memory_space<semaphore_mem>>)
      %slice3A_296 = vector.extract_strided_slice %get3A_89 {offsets = [11], sizes = [1], strides = [1]} : vector<16xi32> to vector<1xi32>
      %squeeze3A_297 = vector.extract %slice3A_296[0] : i32 from vector<1xi32>
      %mul3A_298 = arith.constant 16 : i32
      %mul3A_299 = arith.muli %scan3A_85, %mul3A_298 : i32
      %add3A_300 = arith.addi %mul3A_2, %mul3A_299 : i32
      %add3A_301 = arith.constant 11 : i32
      %add3A_302 = arith.addi %add3A_300, %add3A_301 : i32
      %dma_start3A_303 = arith.constant 0 : i32
      %dma_start3A_304 = tpu.memref_slice %arg5[%squeeze3A_297, %dma_start3A_303] : memref<5x256xf32, #tpu.memory_space<vmem>> -> memref<1x256xf32, #tpu.memory_space<vmem>>
      %dma_start3A_305 = tpu.memref_squeeze %dma_start3A_304 : memref<1x256xf32, #tpu.memory_space<vmem>> -> memref<256xf32, #tpu.memory_space<vmem>>
      %dma_start3A_306 = arith.constant 0 : i32
      %dma_start3A_307 = tpu.memref_slice %arg4[%add3A_302, %dma_start3A_306] : memref<32768x256xf32, #tpu.memory_space<hbm>> -> memref<1x256xf32, #tpu.memory_space<hbm>>
      %dma_start3A_308 = tpu.memref_squeeze %dma_start3A_307 : memref<1x256xf32, #tpu.memory_space<hbm>> -> memref<256xf32, #tpu.memory_space<hbm>>
      %dma_start3A_309 = arith.constant 0 : i32
      %dma_start3A_310 = tpu.memref_slice %arg4[%add3A_302, %dma_start3A_309] : memref<32768x256xf32, #tpu.memory_space<hbm>> -> memref<1x256xf32, #tpu.memory_space<hbm>>
      %dma_start3A_311 = tpu.memref_squeeze %dma_start3A_310 : memref<1x256xf32, #tpu.memory_space<hbm>> -> memref<256xf32, #tpu.memory_space<hbm>>
      %dma_start3A_312 = arith.constant 0 : i32
      %dma_start3A_313 = tpu.memref_slice %arg5[%squeeze3A_297, %dma_start3A_312] : memref<5x256xf32, #tpu.memory_space<vmem>> -> memref<1x256xf32, #tpu.memory_space<vmem>>
      %dma_start3A_314 = tpu.memref_squeeze %dma_start3A_313 : memref<1x256xf32, #tpu.memory_space<vmem>> -> memref<256xf32, #tpu.memory_space<vmem>>
      tpu.enqueue_dma source(%dma_start3A_314 : memref<256xf32, #tpu.memory_space<vmem>>) target(%dma_start3A_311 : memref<256xf32, #tpu.memory_space<hbm>>) target_semaphore(%arg8 : memref<!tpu.dma_semaphore, #tpu.memory_space<semaphore_mem>>)
      %slice3A_315 = vector.extract_strided_slice %get3A_89 {offsets = [12], sizes = [1], strides = [1]} : vector<16xi32> to vector<1xi32>
      %squeeze3A_316 = vector.extract %slice3A_315[0] : i32 from vector<1xi32>
      %mul3A_317 = arith.constant 16 : i32
      %mul3A_318 = arith.muli %scan3A_85, %mul3A_317 : i32
      %add3A_319 = arith.addi %mul3A_2, %mul3A_318 : i32
      %add3A_320 = arith.constant 12 : i32
      %add3A_321 = arith.addi %add3A_319, %add3A_320 : i32
      %dma_start3A_322 = arith.constant 0 : i32
      %dma_start3A_323 = tpu.memref_slice %arg5[%squeeze3A_316, %dma_start3A_322] : memref<5x256xf32, #tpu.memory_space<vmem>> -> memref<1x256xf32, #tpu.memory_space<vmem>>
      %dma_start3A_324 = tpu.memref_squeeze %dma_start3A_323 : memref<1x256xf32, #tpu.memory_space<vmem>> -> memref<256xf32, #tpu.memory_space<vmem>>
      %dma_start3A_325 = arith.constant 0 : i32
      %dma_start3A_326 = tpu.memref_slice %arg4[%add3A_321, %dma_start3A_325] : memref<32768x256xf32, #tpu.memory_space<hbm>> -> memref<1x256xf32, #tpu.memory_space<hbm>>
      %dma_start3A_327 = tpu.memref_squeeze %dma_start3A_326 : memref<1x256xf32, #tpu.memory_space<hbm>> -> memref<256xf32, #tpu.memory_space<hbm>>
      %dma_start3A_328 = arith.constant 0 : i32
      %dma_start3A_329 = tpu.memref_slice %arg4[%add3A_321, %dma_start3A_328] : memref<32768x256xf32, #tpu.memory_space<hbm>> -> memref<1x256xf32, #tpu.memory_space<hbm>>
      %dma_start3A_330 = tpu.memref_squeeze %dma_start3A_329 : memref<1x256xf32, #tpu.memory_space<hbm>> -> memref<256xf32, #tpu.memory_space<hbm>>
      %dma_start3A_331 = arith.constant 0 : i32
      %dma_start3A_332 = tpu.memref_slice %arg5[%squeeze3A_316, %dma_start3A_331] : memref<5x256xf32, #tpu.memory_space<vmem>> -> memref<1x256xf32, #tpu.memory_space<vmem>>
      %dma_start3A_333 = tpu.memref_squeeze %dma_start3A_332 : memref<1x256xf32, #tpu.memory_space<vmem>> -> memref<256xf32, #tpu.memory_space<vmem>>
      tpu.enqueue_dma source(%dma_start3A_333 : memref<256xf32, #tpu.memory_space<vmem>>) target(%dma_start3A_330 : memref<256xf32, #tpu.memory_space<hbm>>) target_semaphore(%arg8 : memref<!tpu.dma_semaphore, #tpu.memory_space<semaphore_mem>>)
      %slice3A_334 = vector.extract_strided_slice %get3A_89 {offsets = [13], sizes = [1], strides = [1]} : vector<16xi32> to vector<1xi32>
      %squeeze3A_335 = vector.extract %slice3A_334[0] : i32 from vector<1xi32>
      %mul3A_336 = arith.constant 16 : i32
      %mul3A_337 = arith.muli %scan3A_85, %mul3A_336 : i32
      %add3A_338 = arith.addi %mul3A_2, %mul3A_337 : i32
      %add3A_339 = arith.constant 13 : i32
      %add3A_340 = arith.addi %add3A_338, %add3A_339 : i32
      %dma_start3A_341 = arith.constant 0 : i32
      %dma_start3A_342 = tpu.memref_slice %arg5[%squeeze3A_335, %dma_start3A_341] : memref<5x256xf32, #tpu.memory_space<vmem>> -> memref<1x256xf32, #tpu.memory_space<vmem>>
      %dma_start3A_343 = tpu.memref_squeeze %dma_start3A_342 : memref<1x256xf32, #tpu.memory_space<vmem>> -> memref<256xf32, #tpu.memory_space<vmem>>
      %dma_start3A_344 = arith.constant 0 : i32
      %dma_start3A_345 = tpu.memref_slice %arg4[%add3A_340, %dma_start3A_344] : memref<32768x256xf32, #tpu.memory_space<hbm>> -> memref<1x256xf32, #tpu.memory_space<hbm>>
      %dma_start3A_346 = tpu.memref_squeeze %dma_start3A_345 : memref<1x256xf32, #tpu.memory_space<hbm>> -> memref<256xf32, #tpu.memory_space<hbm>>
      %dma_start3A_347 = arith.constant 0 : i32
      %dma_start3A_348 = tpu.memref_slice %arg4[%add3A_340, %dma_start3A_347] : memref<32768x256xf32, #tpu.memory_space<hbm>> -> memref<1x256xf32, #tpu.memory_space<hbm>>
      %dma_start3A_349 = tpu.memref_squeeze %dma_start3A_348 : memref<1x256xf32, #tpu.memory_space<hbm>> -> memref<256xf32, #tpu.memory_space<hbm>>
      %dma_start3A_350 = arith.constant 0 : i32
      %dma_start3A_351 = tpu.memref_slice %arg5[%squeeze3A_335, %dma_start3A_350] : memref<5x256xf32, #tpu.memory_space<vmem>> -> memref<1x256xf32, #tpu.memory_space<vmem>>
      %dma_start3A_352 = tpu.memref_squeeze %dma_start3A_351 : memref<1x256xf32, #tpu.memory_space<vmem>> -> memref<256xf32, #tpu.memory_space<vmem>>
      tpu.enqueue_dma source(%dma_start3A_352 : memref<256xf32, #tpu.memory_space<vmem>>) target(%dma_start3A_349 : memref<256xf32, #tpu.memory_space<hbm>>) target_semaphore(%arg8 : memref<!tpu.dma_semaphore, #tpu.memory_space<semaphore_mem>>)
      %slice3A_353 = vector.extract_strided_slice %get3A_89 {offsets = [14], sizes = [1], strides = [1]} : vector<16xi32> to vector<1xi32>
      %squeeze3A_354 = vector.extract %slice3A_353[0] : i32 from vector<1xi32>
      %mul3A_355 = arith.constant 16 : i32
      %mul3A_356 = arith.muli %scan3A_85, %mul3A_355 : i32
      %add3A_357 = arith.addi %mul3A_2, %mul3A_356 : i32
      %add3A_358 = arith.constant 14 : i32
      %add3A_359 = arith.addi %add3A_357, %add3A_358 : i32
      %dma_start3A_360 = arith.constant 0 : i32
      %dma_start3A_361 = tpu.memref_slice %arg5[%squeeze3A_354, %dma_start3A_360] : memref<5x256xf32, #tpu.memory_space<vmem>> -> memref<1x256xf32, #tpu.memory_space<vmem>>
      %dma_start3A_362 = tpu.memref_squeeze %dma_start3A_361 : memref<1x256xf32, #tpu.memory_space<vmem>> -> memref<256xf32, #tpu.memory_space<vmem>>
      %dma_start3A_363 = arith.constant 0 : i32
      %dma_start3A_364 = tpu.memref_slice %arg4[%add3A_359, %dma_start3A_363] : memref<32768x256xf32, #tpu.memory_space<hbm>> -> memref<1x256xf32, #tpu.memory_space<hbm>>
      %dma_start3A_365 = tpu.memref_squeeze %dma_start3A_364 : memref<1x256xf32, #tpu.memory_space<hbm>> -> memref<256xf32, #tpu.memory_space<hbm>>
      %dma_start3A_366 = arith.constant 0 : i32
      %dma_start3A_367 = tpu.memref_slice %arg4[%add3A_359, %dma_start3A_366] : memref<32768x256xf32, #tpu.memory_space<hbm>> -> memref<1x256xf32, #tpu.memory_space<hbm>>
      %dma_start3A_368 = tpu.memref_squeeze %dma_start3A_367 : memref<1x256xf32, #tpu.memory_space<hbm>> -> memref<256xf32, #tpu.memory_space<hbm>>
      %dma_start3A_369 = arith.constant 0 : i32
      %dma_start3A_370 = tpu.memref_slice %arg5[%squeeze3A_354, %dma_start3A_369] : memref<5x256xf32, #tpu.memory_space<vmem>> -> memref<1x256xf32, #tpu.memory_space<vmem>>
      %dma_start3A_371 = tpu.memref_squeeze %dma_start3A_370 : memref<1x256xf32, #tpu.memory_space<vmem>> -> memref<256xf32, #tpu.memory_space<vmem>>
      tpu.enqueue_dma source(%dma_start3A_371 : memref<256xf32, #tpu.memory_space<vmem>>) target(%dma_start3A_368 : memref<256xf32, #tpu.memory_space<hbm>>) target_semaphore(%arg8 : memref<!tpu.dma_semaphore, #tpu.memory_space<semaphore_mem>>)
      %slice3A_372 = vector.extract_strided_slice %get3A_89 {offsets = [15], sizes = [1], strides = [1]} : vector<16xi32> to vector<1xi32>
      %squeeze3A_373 = vector.extract %slice3A_372[0] : i32 from vector<1xi32>
      %mul3A_374 = arith.constant 16 : i32
      %mul3A_375 = arith.muli %scan3A_85, %mul3A_374 : i32
      %add3A_376 = arith.addi %mul3A_2, %mul3A_375 : i32
      %add3A_377 = arith.constant 15 : i32
      %add3A_378 = arith.addi %add3A_376, %add3A_377 : i32
      %dma_start3A_379 = arith.constant 0 : i32
      %dma_start3A_380 = tpu.memref_slice %arg5[%squeeze3A_373, %dma_start3A_379] : memref<5x256xf32, #tpu.memory_space<vmem>> -> memref<1x256xf32, #tpu.memory_space<vmem>>
      %dma_start3A_381 = tpu.memref_squeeze %dma_start3A_380 : memref<1x256xf32, #tpu.memory_space<vmem>> -> memref<256xf32, #tpu.memory_space<vmem>>
      %dma_start3A_382 = arith.constant 0 : i32
      %dma_start3A_383 = tpu.memref_slice %arg4[%add3A_378, %dma_start3A_382] : memref<32768x256xf32, #tpu.memory_space<hbm>> -> memref<1x256xf32, #tpu.memory_space<hbm>>
      %dma_start3A_384 = tpu.memref_squeeze %dma_start3A_383 : memref<1x256xf32, #tpu.memory_space<hbm>> -> memref<256xf32, #tpu.memory_space<hbm>>
      %dma_start3A_385 = arith.constant 0 : i32
      %dma_start3A_386 = tpu.memref_slice %arg4[%add3A_378, %dma_start3A_385] : memref<32768x256xf32, #tpu.memory_space<hbm>> -> memref<1x256xf32, #tpu.memory_space<hbm>>
      %dma_start3A_387 = tpu.memref_squeeze %dma_start3A_386 : memref<1x256xf32, #tpu.memory_space<hbm>> -> memref<256xf32, #tpu.memory_space<hbm>>
      %dma_start3A_388 = arith.constant 0 : i32
      %dma_start3A_389 = tpu.memref_slice %arg5[%squeeze3A_373, %dma_start3A_388] : memref<5x256xf32, #tpu.memory_space<vmem>> -> memref<1x256xf32, #tpu.memory_space<vmem>>
      %dma_start3A_390 = tpu.memref_squeeze %dma_start3A_389 : memref<1x256xf32, #tpu.memory_space<vmem>> -> memref<256xf32, #tpu.memory_space<vmem>>
      tpu.enqueue_dma source(%dma_start3A_390 : memref<256xf32, #tpu.memory_space<vmem>>) target(%dma_start3A_387 : memref<256xf32, #tpu.memory_space<hbm>>) target_semaphore(%arg8 : memref<!tpu.dma_semaphore, #tpu.memory_space<semaphore_mem>>)
    }
    %scan3A_37 = arith.constant 64 : i32
    %dma_wait3A = arith.constant 0 : i32
    %dma_wait3A_38 = arith.constant 0 : i32
    %dma_wait3A_39 = tpu.memref_slice %arg4[%dma_wait3A, %dma_wait3A_38] : memref<32768x256xf32, #tpu.memory_space<hbm>> -> memref<128x256xf32, #tpu.memory_space<hbm>>
    %dma_wait3A_40 = arith.constant 0 : i32
    %dma_wait3A_41 = arith.constant 0 : i32
    %dma_wait3A_42 = tpu.memref_slice %arg4[%dma_wait3A_40, %dma_wait3A_41] : memref<32768x256xf32, #tpu.memory_space<hbm>> -> memref<128x256xf32, #tpu.memory_space<hbm>>
    tpu.wait_dma2 semaphore(%arg8 : memref<!tpu.dma_semaphore, #tpu.memory_space<semaphore_mem>>) src(%dma_wait3A_42 : memref<128x256xf32, #tpu.memory_space<hbm>>) dst(%arg7 : memref<128x256xf32, #tpu.memory_space<vmem>>)
    %dma_wait3A_43 = arith.constant 0 : i32
    %dma_wait3A_44 = arith.constant 0 : i32
    %dma_wait3A_45 = tpu.memref_slice %arg4[%dma_wait3A_43, %dma_wait3A_44] : memref<32768x256xf32, #tpu.memory_space<hbm>> -> memref<128x256xf32, #tpu.memory_space<hbm>>
    %dma_wait3A_46 = arith.constant 0 : i32
    %dma_wait3A_47 = arith.constant 0 : i32
    %dma_wait3A_48 = tpu.memref_slice %arg4[%dma_wait3A_46, %dma_wait3A_47] : memref<32768x256xf32, #tpu.memory_space<hbm>> -> memref<128x256xf32, #tpu.memory_space<hbm>>
    tpu.wait_dma2 semaphore(%arg8 : memref<!tpu.dma_semaphore, #tpu.memory_space<semaphore_mem>>) src(%dma_wait3A_48 : memref<128x256xf32, #tpu.memory_space<hbm>>) dst(%arg7 : memref<128x256xf32, #tpu.memory_space<vmem>>)
    %dma_wait3A_49 = arith.constant 0 : i32
    %dma_wait3A_50 = arith.constant 0 : i32
    %dma_wait3A_51 = tpu.memref_slice %arg4[%dma_wait3A_49, %dma_wait3A_50] : memref<32768x256xf32, #tpu.memory_space<hbm>> -> memref<128x256xf32, #tpu.memory_space<hbm>>
    %dma_wait3A_52 = arith.constant 0 : i32
    %dma_wait3A_53 = arith.constant 0 : i32
    %dma_wait3A_54 = tpu.memref_slice %arg4[%dma_wait3A_52, %dma_wait3A_53] : memref<32768x256xf32, #tpu.memory_space<hbm>> -> memref<128x256xf32, #tpu.memory_space<hbm>>
    tpu.wait_dma2 semaphore(%arg8 : memref<!tpu.dma_semaphore, #tpu.memory_space<semaphore_mem>>) src(%dma_wait3A_54 : memref<128x256xf32, #tpu.memory_space<hbm>>) dst(%arg7 : memref<128x256xf32, #tpu.memory_space<vmem>>)
    %dma_wait3A_55 = arith.constant 0 : i32
    %dma_wait3A_56 = arith.constant 0 : i32
    %dma_wait3A_57 = tpu.memref_slice %arg4[%dma_wait3A_55, %dma_wait3A_56] : memref<32768x256xf32, #tpu.memory_space<hbm>> -> memref<128x256xf32, #tpu.memory_space<hbm>>
    %dma_wait3A_58 = arith.constant 0 : i32
    %dma_wait3A_59 = arith.constant 0 : i32
    %dma_wait3A_60 = tpu.memref_slice %arg4[%dma_wait3A_58, %dma_wait3A_59] : memref<32768x256xf32, #tpu.memory_space<hbm>> -> memref<128x256xf32, #tpu.memory_space<hbm>>
    tpu.wait_dma2 semaphore(%arg8 : memref<!tpu.dma_semaphore, #tpu.memory_space<semaphore_mem>>) src(%dma_wait3A_60 : memref<128x256xf32, #tpu.memory_space<hbm>>) dst(%arg7 : memref<128x256xf32, #tpu.memory_space<vmem>>)
    %dma_wait3A_61 = arith.constant 0 : i32
    %dma_wait3A_62 = arith.constant 0 : i32
    %dma_wait3A_63 = tpu.memref_slice %arg4[%dma_wait3A_61, %dma_wait3A_62] : memref<32768x256xf32, #tpu.memory_space<hbm>> -> memref<128x256xf32, #tpu.memory_space<hbm>>
    %dma_wait3A_64 = arith.constant 0 : i32
    %dma_wait3A_65 = arith.constant 0 : i32
    %dma_wait3A_66 = tpu.memref_slice %arg4[%dma_wait3A_64, %dma_wait3A_65] : memref<32768x256xf32, #tpu.memory_space<hbm>> -> memref<128x256xf32, #tpu.memory_space<hbm>>
    tpu.wait_dma2 semaphore(%arg8 : memref<!tpu.dma_semaphore, #tpu.memory_space<semaphore_mem>>) src(%dma_wait3A_66 : memref<128x256xf32, #tpu.memory_space<hbm>>) dst(%arg7 : memref<128x256xf32, #tpu.memory_space<vmem>>)
    %dma_wait3A_67 = arith.constant 0 : i32
    %dma_wait3A_68 = arith.constant 0 : i32
    %dma_wait3A_69 = tpu.memref_slice %arg4[%dma_wait3A_67, %dma_wait3A_68] : memref<32768x256xf32, #tpu.memory_space<hbm>> -> memref<128x256xf32, #tpu.memory_space<hbm>>
    %dma_wait3A_70 = arith.constant 0 : i32
    %dma_wait3A_71 = arith.constant 0 : i32
    %dma_wait3A_72 = tpu.memref_slice %arg4[%dma_wait3A_70, %dma_wait3A_71] : memref<32768x256xf32, #tpu.memory_space<hbm>> -> memref<128x256xf32, #tpu.memory_space<hbm>>
    tpu.wait_dma2 semaphore(%arg8 : memref<!tpu.dma_semaphore, #tpu.memory_space<semaphore_mem>>) src(%dma_wait3A_72 : memref<128x256xf32, #tpu.memory_space<hbm>>) dst(%arg7 : memref<128x256xf32, #tpu.memory_space<vmem>>)
    %dma_wait3A_73 = arith.constant 0 : i32
    %dma_wait3A_74 = arith.constant 0 : i32
    %dma_wait3A_75 = tpu.memref_slice %arg4[%dma_wait3A_73, %dma_wait3A_74] : memref<32768x256xf32, #tpu.memory_space<hbm>> -> memref<128x256xf32, #tpu.memory_space<hbm>>
    %dma_wait3A_76 = arith.constant 0 : i32
    %dma_wait3A_77 = arith.constant 0 : i32
    %dma_wait3A_78 = tpu.memref_slice %arg4[%dma_wait3A_76, %dma_wait3A_77] : memref<32768x256xf32, #tpu.memory_space<hbm>> -> memref<128x256xf32, #tpu.memory_space<hbm>>
    tpu.wait_dma2 semaphore(%arg8 : memref<!tpu.dma_semaphore, #tpu.memory_space<semaphore_mem>>) src(%dma_wait3A_78 : memref<128x256xf32, #tpu.memory_space<hbm>>) dst(%arg7 : memref<128x256xf32, #tpu.memory_space<vmem>>)
    %dma_wait3A_79 = arith.constant 0 : i32
    %dma_wait3A_80 = arith.constant 0 : i32
    %dma_wait3A_81 = tpu.memref_slice %arg4[%dma_wait3A_79, %dma_wait3A_80] : memref<32768x256xf32, #tpu.memory_space<hbm>> -> memref<128x256xf32, #tpu.memory_space<hbm>>
    %dma_wait3A_82 = arith.constant 0 : i32
    %dma_wait3A_83 = arith.constant 0 : i32
    %dma_wait3A_84 = tpu.memref_slice %arg4[%dma_wait3A_82, %dma_wait3A_83] : memref<32768x256xf32, #tpu.memory_space<hbm>> -> memref<128x256xf32, #tpu.memory_space<hbm>>
    tpu.wait_dma2 semaphore(%arg8 : memref<!tpu.dma_semaphore, #tpu.memory_space<semaphore_mem>>) src(%dma_wait3A_84 : memref<128x256xf32, #tpu.memory_space<hbm>>) dst(%arg7 : memref<128x256xf32, #tpu.memory_space<vmem>>)
    return
  }
}

</mosaic_0001>

<sc_bundles>
// kernel: kernel.3.cloned.1.call-start
scs
__scs_entry_jumppad:
0x0: {  	(pc) =	sbr.rel $0x88, $3  }
0x1: {  	(tag) =	ssettag $0x0;
	lr =	simm.s32 $0x1  }
0x2: {  	[smem:$0x3F9F] =	sst lr;
	_ =	strace $0xD0000000  }
0x3: {  	_ = 	snop  }
0x4: {  	_ = 	snop  }
0x5: {  	_ = 	snop  }
0x6: {  	_ = 	snop  }
0x7: {  	_ = 	snop  }
__scs_overlays_trampoline_lowered:
0x8: {  	[smem:$0x3FAE] =	sst s0  }
0x9: {  	[smem:$0x3FAF] =	sst s1  }
0xa: {  	[smem:$0x3FB0] =	sst s2  }
0xb: {  	[smem:$0x3FB1] =	sst s3  }
0xc: {  	[smem:$0x3FB2] =	sst s4  }
0xd: {  	[smem:$0x3FB3] =	sst s5  }
0xe: {  	[smem:$0x3FB4] =	sst s6  }
0xf: {  	[smem:$0x3FB5] =	sst s7  }
0x10: {  	[smem:$0x3FB6] =	sst s8  }
0x11: {  	[smem:$0x3FB7] =	sst s9;
	s0 =	simm.s32 @!p0 $0x0  }
0x12: {  	s1 =	sld [smem:$0x3F9D];
	s0 =	simm.s32 @p0 $0x1  }
0x13: {  	[smem:$0x3FB8] =	sst s0;
	s0 =	simm.s32 @!p1 $0x0  }
0x14: {  	s2 =	sld [smem:$0x3F9C];
	s0 =	simm.s32 @p1 $0x1  }
0x15: {  	[smem:$0x3FB9] =	sst s0;
	s0 =	simm.s32 @!p2 $0x0  }
0x16: {  	s3 =	sld [smem:$0x3FDB];
	s0 =	simm.s32 @p2 $0x1  }
0x17: {  	s4 =	simm.s32 $0x1BF5;
	[smem:$0x3FBB] =	sst s0  }
0x18: {  	s0 =	sld [smem:$0x3F9E];
	_ =	swait.ge [sflag:s4], $0x0  }
0x19: {  	s7 =	sld [smem:$0x3F9F]  }
0x1a: {  	s8 =	sadd.s32 $0xFFFFE003, lr  }
0x1b: {  	s9 =	sadd.s32 $0xFFFFFEF7, lr;
	s5 =	simm.s32 $0xFFFFFFFF;
	p2 =	slt.u32 s8, $0xFFFFF086  }
0x1c: {  	p1 =	slt.u32 s9, $0xF7A;
	s5 =	simm.s32 @!p2 $0x0  }
0x1d: {  	s5 =	simm.s32 @p1 $0x1;
	p0 =	seq.s32 s7, s2  }
0x1e: {  	s7 =	smul.u32 @!p0 $0xF7A, s2;
	p2 =	seq.s32 @!p0 s5, $0x0  }
0x1f: {  	s9 =	smul.u32 $0xF7A, s1;
	s8 =	simm.s32 @!p0 $0x1BF5;
	p2 =	por !p2, p0  }
0x20: {  	[sflag:s8] =	ssyncset.s32 @!p0 $0xFFFFF086;
	s6 =	sadd.s32 @!p0 s3, s7;
	s7 =	simm.s32 @!p0 $0x108  }
0x21: {  	s3 =	sadd.s32 s3, s9;
	s6 =	sadd.s32 @!p0 $0x88, s6;
	s7 =	simm.s32 @p2 $0x1082  }
0x22: {  	[simem:s7], [sflag:s8] =	dma.local @!p0 [hbm:s6], $0xF7A  }
0x23: {  	s9 =	sor.u32 $0xD0000000, s2;
	s6 =	simm.s32 $0x108;
	_ =	swait.ge @!p0 [sflag:s8], $0x0  }
0x24: {  	s3 =	sadd.s32 $0x88, s3;
	s6 =	simm.s32 @!p1 $0x1082;
	[sflag:s4] =	ssyncset.s32 $0xFFFFF086  }
0x25: {  	[simem:s6], [sflag:s4] =	dma.local [hbm:s3], $0xF7A  }
0x26: {  	[smem:$0x3F9F] =	sst s1;
	(tag) =	ssettag s2;
	_ =	strace s9  }
0x27: {  	s1 =	sld [smem:$0x3FAF]  }
0x28: {  	s2 =	sld [smem:$0x3FB0]  }
0x29: {  	s4 =	sld [smem:$0x3FB2]  }
0x2a: {  	p0 =	seq.s32 s5, $0x0;
	s5 =	sld [smem:$0x3FB3]  }
0x2b: {  	s6 =	sld [smem:$0x3FB4]  }
0x2c: {  	s7 =	sld [smem:$0x3FB5]  }
0x2d: {  	s3 =	simm.s32 $0x108;
	s8 =	sld [smem:$0x3FB6]  }
0x2e: {  	s3 =	simm.s32 @!p0 $0x1082;
	s9 =	sld [smem:$0x3FB7]  }
0x2f: {  	lr =	sadd.s32 s0, s3;
	s0 =	sld [smem:$0x3FAE]  }
0x30: {  	s3 =	sld [smem:$0x3FB1]  }
0x31: {  	[smem:$0x3FBA] =	sst s10  }
0x32: {  	s10 =	sld [smem:$0x3FB8];
	_ =	sdelay $0x3  }
0x33: {  	p0 =	seq.s32 s10, $0x1;
	s10 =	sld [smem:$0x3FBA];
	_ =	sdelay $0x3  }
0x34: {  	[smem:$0x3FBA] =	sst s10  }
0x35: {  	s10 =	sld [smem:$0x3FB9];
	_ =	sdelay $0x3  }
0x36: {  	p1 =	seq.s32 s10, $0x1;
	s10 =	sld [smem:$0x3FBA];
	_ =	sdelay $0x3  }
0x37: {  	[smem:$0x3FBA] =	sst s10  }
0x38: {  	s10 =	sld [smem:$0x3FBB]  }
0x39: {  	_ = 	snop;
	(pc) =	sbr.ind lr, $3  }
0x3a: {  	_ = 	snop  }
0x3b: {  	_ = 	snop  }
0x3c: {  	p2 =	seq.s32 s10, $0x1;
	s10 =	sld [smem:$0x3FBA]  }
0x3d: {  	_ =	shalt  }
0x3e: {  	_ =	shalt  }
0x3f: {  	_ =	shalt  }
0x40: {  	_ =	shalt  }
0x41: {  	_ =	shalt  }
0x42: {  	_ =	shalt  }
0x43: {  	_ =	shalt  }
0x44: {  	_ =	shalt  }
0x45: {  	_ =	shalt  }
0x46: {  	_ =	shalt  }
0x47: {  	_ =	shalt  }
0x48: {  	_ =	shalt  }
0x49: {  	_ =	shalt  }
0x4a: {  	_ =	shalt  }
0x4b: {  	_ =	shalt  }
0x4c: {  	_ =	shalt  }
0x4d: {  	_ =	shalt  }
0x4e: {  	_ =	shalt  }
0x4f: {  	_ =	shalt  }
0x50: {  	_ =	shalt  }
0x51: {  	_ =	shalt  }
0x52: {  	_ =	shalt  }
0x53: {  	_ =	shalt  }
0x54: {  	_ =	shalt  }
0x55: {  	_ =	shalt  }
0x56: {  	_ =	shalt  }
0x57: {  	_ =	shalt  }
0x58: {  	_ =	shalt  }
0x59: {  	_ =	shalt  }
0x5a: {  	_ =	shalt  }
0x5b: {  	_ =	shalt  }
0x5c: {  	_ =	shalt  }
0x5d: {  	_ =	shalt  }
0x5e: {  	_ =	shalt  }
0x5f: {  	_ =	shalt  }
0x60: {  	_ =	shalt  }
0x61: {  	_ =	shalt  }
0x62: {  	_ =	shalt  }
0x63: {  	_ =	shalt  }
0x64: {  	_ =	shalt  }
0x65: {  	_ =	shalt  }
0x66: {  	_ =	shalt  }
0x67: {  	_ =	shalt  }
0x68: {  	_ =	shalt  }
0x69: {  	_ =	shalt  }
0x6a: {  	_ =	shalt  }
0x6b: {  	_ =	shalt  }
0x6c: {  	_ =	shalt  }
0x6d: {  	_ =	shalt  }
0x6e: {  	_ =	shalt  }
0x6f: {  	_ =	shalt  }
0x70: {  	_ =	shalt  }
0x71: {  	_ =	shalt  }
0x72: {  	_ =	shalt  }
0x73: {  	_ =	shalt  }
0x74: {  	_ =	shalt  }
0x75: {  	_ =	shalt  }
0x76: {  	_ =	shalt  }
0x77: {  	_ =	shalt  }
0x78: {  	_ =	shalt  }
0x79: {  	_ =	shalt  }
0x7a: {  	_ =	shalt  }
0x7b: {  	_ =	shalt  }
0x7c: {  	_ =	shalt  }
0x7d: {  	_ =	shalt  }
0x7e: {  	_ =	shalt  }
0x7f: {  	_ =	shalt  }
0x80: {  	_ =	shalt  }
0x81: {  	_ =	shalt  }
0x82: {  	_ =	shalt  }
0x83: {  	_ =	shalt  }
0x84: {  	_ =	shalt  }
0x85: {  	_ =	shalt  }
0x86: {  	_ =	shalt  }
0x87: {  	_ =	shalt  }
.Lfunc_end0:
.L_simem_size_0:
called_computation_lowered:
.L_overlay_start_0:
0x88: {  	s2 =	sld [smem:$0x3FD9]  }
0x89: {  	s3 =	sld [smem:$0x3FFE];
	_ =	sdelay $0x1  }
0x8a: {  	s1 =	srdreg.scid  }
0x8b: {  	s0 =	sand.u32 $0x1, s1  }
0x8c: {  	s18 =	sshll.u32 s0, $0xA;
	s2 =	sadd.s32 s3, s2  }
0x8d: {  	s2 =	sadd.s32 s2, s18  }
0x8e: {  	[smem:$0x3FC6] =	sst s2  }
0x8f: {  	_ = 	snop  }
0x90: {  	s2 =	sld [smem:$0x3FC9]  }
0x91: {  	s19 =	sld [smem:$0x3FC8]  }
0x92: {  	s4 =	sld [smem:$0x3FD0];
	(tm) =	ssettm $0x1  }
0x93: {  	s5 =	sld [smem:$0x3FFB];
	_ =	sdelay $0x3  }
0x94: {  	_ =	strace s5  }
0x95: {  	s5 =	sld [smem:$0x3FFC];
	_ =	sdelay $0x3  }
0x96: {  	_ =	strace s5  }
0x97: {  	s5 =	sld [smem:$0x3FFD];
	_ =	sdelay $0x3  }
0x98: {  	_ =	strace s5  }
0x99: {  	_ =	strace $0x8FFFFFFF  }
0x9a: {  	s20 =	sld [smem:$0x3FDB];
	_ =	sdelay $0x1  }
0x9b: {  	s6 =	simm.s32 $_scs_section_size  }
0x9c: {  	s7 =	simm.s32 $_size__tile_overlayer_lowered;
	s8 =	simm.s32 $_tile_overlayer_lowered  }
0x9d: {  	s23 =	simm.s32 $0x1BFF;
	s22 =	sshll.u32 s8, $0x1;
	s5 =	sadd.s32 s6, s20  }
0x9e: {  	s9 =	simm.s32 $0x0;
	s21 =	sshll.u32 s7, $0x1;
	s7 =	sadd.s32 s22, s5  }
0x9f: {  	[timem:s9], [sflag:s23] =	dma.local [hbm:s7], s21  }
0xa0: {  	_ =	swait.ge [sflag:s23], s21  }
0xa1: {  	s6 =	ssub.s32 $0x0, s21;
	[sflag:s23] =	ssyncset.done $0x0  }
0xa2: {  	[sflag:s23] =	ssyncadd.s32 s6;
	_ =	sdelay $0x1  }
0xa3: {  	s24 =	simm.s32 $0x1B8B  }
0xa4: {  	_ =	swait.ge [sflag:s24], $0x1  }
0xa5: {  	[sflag:s24] =	ssyncset.done $0x0  }
0xa6: {  	s25 =	simm.s32 $0x1B8E;
	[sflag:s24] =	ssyncadd.s32 $0xFFFFFFFF  }
0xa7: {  	s26 =	simm.s32 $execute0_lowered;
	[smem:$0x3FD2] =	sst s25  }
0xa8: {  	s6 =	sshll.u32 s26, $0x1;
	_ =	strace $0x80000046;
	[dreg:$0x1] =	wrdreg $0xFFFFFFFF  }
0xa9: {  	s28 =	simm.s32 $_size_execute0_lowered;
	s5 =	sadd.s32 s5, s6;
	[dreg:$0x0] =	wrdreg $0x0  }
0xaa: {  	s6 =	sshll.u32 s28, $0x1;
	[dreg:$0x2] =	wrdreg s5  }
0xab: {  	[dreg:$0x3] =	wrdreg s6  }
0xac: {  	[dreg:$0x4] =	wrdreg $0xC0  }
0xad: {  	_ =	task [dreg:s9], $0x5FFFF  }
0xae: {  	[dreg:$0x1] =	wrdreg $0xFFFFFFFF  }
0xaf: {  	[dreg:$0x0] =	wrdreg $0x60  }
0xb0: {  	[dreg:$0x2] =	wrdreg s19  }
0xb1: {  	[dreg:$0x3] =	wrdreg s2  }
0xb2: {  	[dreg:$0x4] =	wrdreg s4  }
0xb3: {  	[dreg:$0x5] =	wrdreg $0x9  }
0xb4: {  	_ =	task.clear_ibuf [dreg:s9], $0x6FFFF;
	_ =	strace $0x90000046  }
0xb5: {  	s29 =	simm.s32 $0x9;
	_ =	strace $0x80000048  }
0xb6: {  	_ =	swait.ge [sflag:s29], $0x1  }
0xb7: {  	[sflag:s29] =	ssyncadd.s32 $0xFFFFFFFF  }
0xb8: {  	_ =	strace $0x90000048  }
0xb9: {  	_ =	sfence  }
0xba: {  	s30 =	sld [smem:$0x0];
	_ =	sdelay $0x2  }
0xbb: {  	s31 =	sshll.u32 s1, $0xD;
	s1 =	sshrl.u32 s1, $0x2  }
0xbc: {  	s3 =	sand.u32 $0x4000, s31;
	s1 =	sadd.s32 s1, s30  }
0xbd: {  	s0 =	sor.u32 s3, s0;
	s1 =	sshll.u32 s1, $0x11  }
0xbe: {  	s0 =	sor.u32 s1, s0  }
0xbf: {  	s0 =	sadd.s32 $0x8F2B, s0  }
0xc0: {  	[sflag:s0] =	ssyncadd.remote.s32 $0x1  }
0xc1: {  	_ =	sfence.sel $0xFFFF  }
0xc2: {  	[dreg:$0x0] =	wrdreg $0xFFFFFFFF;
	(pc) =	sbr.abs _section_cstart, $3  }
0xc3: {  	[dreg:$0x1] =	wrdreg $0xFFFFFFFF  }
0xc4: {  	_ =	task.clear_ibuf [dreg:s9], $0x2FFFF;
	_ =	strace $0x9FFFFFFF  }
0xc5: {  	(tm) =	ssettm $0x7FFFFFFF  }
tec
execute0_lowered:
.L_overlay_start_1:
0x0: {  	(tag) =	ssettag $0x1  }
0x1: {  	s0 =	rddreg [dreg:$0x1]  }
0x2: {  	s1 =	rddreg [dreg:$0x2];
	s2 =	srdreg.scid  }
0x3: {  	s3 =	simm.s32 $0x0;
	s8 =	stileid.u32;
	s2 =	sand.u32 $0x1, s2  }
0x4: {  	[smem:$0x7FF] =	sst s3;
	s4 =	sshll.u32 s8, $0xD;
	s26 =	sshll.u32 s8, $0x5  }
0x5: {  	s29 =	sshll.u32 s8, $0x10;
	s5 =	sshll.u32 s2, $0xC;
	s6 =	ssub.s32 $0x2, s2  }
0x6: {  	_ =	strace $0x80000047;
	s1 =	sadd.s32 s29, s1;
	s4 =	sor.u32 s5, s4  }
0x7: {  	s2 =	sshll.u32 s2, $0xF;
	s7 =	sshrl.u32 s6, $0x1;
	s4 =	sor.u32 s26, s4  }
0x8: {  	s31 =	sadd.s32 s2, s1;
	s28 =	ssub.s32 s6, s7;
	s4 =	sand.u32 $0x7180, s4  }
0x9: {  	[dreg:$0x4] =	wrdreg s31;
	s30 =	smax.u32 s28, $0x1;
	s4 =	sshrl.u32 s4, $0x3  }
0xa: {  	[dreg:$0xe] =	wrdreg s30;
	s0 =	sadd.s32 s0, s4  }
0xb: {  	s2 =	simm.s32 $0x0;
	[dreg:$0xd] =	wrdreg s0  }
.LBB2_1:
0xc: {  	[dreg:$0xf] =	wrdreg s2  }
0xd: {  	s0 =	rddreg [dreg:$0x0];
	s16 =	simm.s32 $0x2  }
0xe: {  	[tilespmem:s3], [sflag:$0x2] =	stream.linear.gather [hbm4b:s0+s3], $0x800, $0x38;
	[tilespmem:$0xC00] =	vst v63  }
0xf: {  	_ =	swait.ge [sflag:s16], $0x800  }
0x10: {  	s17 =	simm.s32 $0x800;
	s4 =	simm.s32 $0x80;
	[sflag:s16] =	ssyncset.done $0x0  }
0x11: {  	s5 =	simm.s32 $0x200;
	s1 =	rddreg [dreg:$0xd];
	[sflag:s16] =	ssyncadd.s32 $0xFFFFF800  }
0x12: {  	[tilespmem:s17], [sflag:$0x2] =	stream.strided.gather [hbm4b:s1+s4], $0x400, s5, s4, $0x38;
	[tilespmem:$0xC00] =	vst v63  }
0x13: {  	_ =	swait.ge [sflag:s16], $0x400  }
0x14: {  	[sflag:s16] =	ssyncset.done $0x0  }
0x15: {  	[sflag:s16] =	ssyncadd.s32 $0xFFFFFC00  }
0x16: {  	v0 =	vld [tilespmem:s17+$0x0];
	_ =	sdelay $0x4  }
0x17: {  	(v2sf) =	vpush v0, $0x1  }
0x18: {  	(v2sf) =	vpush v0, $0x2;
	_ =	sdelay $0x1  }
0x19: {  	(v2sf) =	vpush v0, $0x3  }
0x1a: {  	(v2sf) =	vpush v0, $0x0;
	_ =	sdelay $0x5  }
0x1b: {  	s18 =	rddreg [dreg:$0x4]  }
0x1c: {  	s11 =	sadd.s32 $0x0, s18  }
0x1d: {  	s12 =	simm.s32 $0x200;
	s6 =	sadd.s32 $0xA0, s11;
	s7 =	sadd.s32 $0x30, s11  }
0x1e: {  	s10 =	sadd.s32 $0xB0, s11;
	s13 =	sadd.s32 $0x40, s11;
	s14 =	sadd.s32 $0x10, s11  }
0x1f: {  	s23 =	sadd.s32 $0x80, s11;
	s1 =	sadd.s32 $0x100, s11;
	s4 =	sadd.s32 $0xE0, s11  }
0x20: {  	s28 =	sadd.s32 $0x90, s11;
	s30 =	sadd.s32 $0x20, s11;
	s19 =	spop (v2sf)  }
0x21: {  	s17 =	sadd.s32 $0x60, s11;
	s18 =	sadd.s32 $0x1D0, s11;
	s20 =	spop (v2sf)  }
0x22: {  	(v2sf) =	vpush v0, $0x6;
	s24 =	sshll.u32 s19, $0x8;
	s2 =	sshll.u32 s19, $0x7;
	s19 =	sadd.s32 $0x190, s11  }
0x23: {  	s8 =	spop (v2sf);
	s25 =	sand.u32 $0xFFFFF800, s24;
	s26 =	sand.u32 $0x380, s2  }
0x24: {  	(v2sf) =	vpush v0, $0x4;
	s2 =	sadd.s32 $0xF0, s11;
	s29 =	sshll.u32 s20, $0x8;
	s21 =	spop (v2sf)  }
0x25: {  	s5 =	sshll.u32 s20, $0x7;
	s22 =	sshll.u32 s21, $0x8;
	s0 =	sshll.u32 s21, $0x7  }
0x26: {  	(v2sf) =	vpush v0, $0x5;
	s5 =	sand.u32 $0x380, s5;
	s15 =	sand.u32 $0xFFFFF800, s22;
	s16 =	sand.u32 $0x380, s0  }
0x27: {  	s31 =	sshll.u32 s8, $0x8;
	s8 =	sshll.u32 s8, $0x7;
	s15 =	sor.u32 s16, s15  }
0x28: {  	[hbm4b:s11+s3] =	stream.linear.scatter [tilespmem:s15], [sflag:$0x1], $0x80, $0x38;
	[tilespmem:$0xC00] =	vst v63  }
0x29: {  	s8 =	sand.u32 $0x380, s8;
	s0 =	sadd.s32 $0x180, s11;
	s15 =	sor.u32 $0x400, s15  }
0x2a: {  	[hbm4b:s23+s3] =	stream.linear.scatter [tilespmem:s15], [sflag:$0x1], $0x80, $0x38;
	[tilespmem:$0xC00] =	vst v63  }
0x2b: {  	s22 =	sadd.s32 $0x70, s11;
	s16 =	sadd.s32 $0x120, s11;
	s15 =	sor.u32 s26, s25  }
0x2c: {  	[hbm4b:s14+s3] =	stream.linear.scatter [tilespmem:s15], [sflag:$0x1], $0x80, $0x38;
	[tilespmem:$0xC00] =	vst v63  }
0x2d: {  	s23 =	sadd.s32 $0xC0, s11;
	s15 =	sor.u32 $0x400, s15;
	s14 =	sand.u32 $0xFFFFF800, s29  }
0x2e: {  	(v2sf) =	vpush v0, $0x7;
	[hbm4b:s28+s3] =	stream.linear.scatter [tilespmem:s15], [sflag:$0x1], $0x80, $0x38;
	[tilespmem:$0xC00] =	vst v63  }
0x2f: {  	s29 =	sadd.s32 $0xD0, s11;
	s5 =	sor.u32 s5, s14;
	s14 =	sand.u32 $0xFFFFF800, s31  }
0x30: {  	[hbm4b:s30+s3] =	stream.linear.scatter [tilespmem:s5], [sflag:$0x1], $0x80, $0x38;
	[tilespmem:$0xC00] =	vst v63  }
0x31: {  	s15 =	sadd.s32 $0x1A0, s11;
	s5 =	sor.u32 $0x400, s5;
	s9 =	spop (v2sf)  }
0x32: {  	[hbm4b:s6+s3] =	stream.linear.scatter [tilespmem:s5], [sflag:$0x1], $0x80, $0x38;
	[tilespmem:$0xC00] =	vst v63  }
0x33: {  	s28 =	sadd.s32 $0x50, s11;
	s6 =	sor.u32 s8, s14;
	s20 =	spop (v2sf)  }
0x34: {  	s30 =	sshll.u32 s9, $0x8;
	s5 =	sshll.u32 s9, $0x7;
	s21 =	sshll.u32 s20, $0x8  }
0x35: {  	(v2sf) =	vpush v0, $0x8;
	s8 =	sshll.u32 s20, $0x7;
	s24 =	spop (v2sf);
	s31 =	sand.u32 $0xFFFFF800, s30  }
0x36: {  	[hbm4b:s7+s3] =	stream.linear.scatter [tilespmem:s6], [sflag:$0x1], $0x80, $0x38;
	[tilespmem:$0xC00] =	vst v63  }
0x37: {  	(v2sf) =	vpush v0, $0x9;
	s6 =	sor.u32 $0x400, s6;
	s7 =	sand.u32 $0xFFFFF800, s21;
	s8 =	sand.u32 $0x380, s8  }
0x38: {  	(v2sf) =	vpush v0, $0xA;
	[hbm4b:s10+s3] =	stream.linear.scatter [tilespmem:s6], [sflag:$0x1], $0x80, $0x38;
	[tilespmem:$0xC00] =	vst v63  }
0x39: {  	s25 =	sshll.u32 s24, $0x8;
	s7 =	sor.u32 s8, s7;
	s8 =	sshll.u32 s24, $0x7  }
0x3a: {  	[hbm4b:s13+s3] =	stream.linear.scatter [tilespmem:s7], [sflag:$0x1], $0x80, $0x38;
	[tilespmem:$0xC00] =	vst v63  }
0x3b: {  	s26 =	sand.u32 $0xFFFFF800, s25;
	s8 =	sand.u32 $0x380, s8;
	s7 =	sor.u32 $0x400, s7  }
0x3c: {  	[hbm4b:s23+s3] =	stream.linear.scatter [tilespmem:s7], [sflag:$0x1], $0x80, $0x38;
	[tilespmem:$0xC00] =	vst v63  }
0x3d: {  	s5 =	sand.u32 $0x380, s5;
	s7 =	sor.u32 s8, s26;
	s8 =	spop (v2sf)  }
0x3e: {  	[hbm4b:s28+s3] =	stream.linear.scatter [tilespmem:s7], [sflag:$0x1], $0x80, $0x38;
	[tilespmem:$0xC00] =	vst v63  }
0x3f: {  	s5 =	sor.u32 s5, s31;
	s9 =	sshll.u32 s8, $0x8;
	s7 =	sor.u32 $0x400, s7  }
0x40: {  	[hbm4b:s29+s3] =	stream.linear.scatter [tilespmem:s7], [sflag:$0x1], $0x80, $0x38;
	[tilespmem:$0xC00] =	vst v63  }
0x41: {  	s13 =	simm.s32 $0x810;
	s10 =	sand.u32 $0xFFFFF800, s9;
	s7 =	sshll.u32 s8, $0x7  }
0x42: {  	s29 =	sadd.s32 $0x110, s11;
	s14 =	sand.u32 $0x380, s7;
	s7 =	sadd.s32 $0x1E0, s11  }
0x43: {  	[hbm4b:s17+s3] =	stream.linear.scatter [tilespmem:s5], [sflag:$0x1], $0x80, $0x38;
	[tilespmem:$0xC00] =	vst v63  }
0x44: {  	s5 =	sor.u32 $0x400, s5;
	s17 =	sadd.s32 $0x160, s11;
	s20 =	spop (v2sf)  }
0x45: {  	[hbm4b:s4+s3] =	stream.linear.scatter [tilespmem:s5], [sflag:$0x1], $0x80, $0x38;
	[tilespmem:$0xC00] =	vst v63  }
0x46: {  	s21 =	sshll.u32 s20, $0x8;
	s24 =	spop (v2sf);
	s4 =	sor.u32 s14, s10  }
0x47: {  	s5 =	sshll.u32 s20, $0x7;
	s25 =	sshll.u32 s24, $0x8;
	s30 =	spop (v2sf)  }
0x48: {  	s20 =	sadd.s32 $0x1C0, s11;
	s23 =	sand.u32 $0x380, s5;
	s5 =	sshll.u32 s24, $0x7  }
0x49: {  	[hbm4b:s22+s3] =	stream.linear.scatter [tilespmem:s4], [sflag:$0x1], $0x80, $0x38;
	[tilespmem:$0xC00] =	vst v63  }
0x4a: {  	s26 =	sand.u32 $0xFFFFF800, s25;
	s4 =	sor.u32 $0x400, s4;
	s22 =	sand.u32 $0xFFFFF800, s21  }
0x4b: {  	[hbm4b:s2+s3] =	stream.linear.scatter [tilespmem:s4], [sflag:$0x1], $0x80, $0x38;
	[tilespmem:$0xC00] =	vst v63  }
0x4c: {  	s31 =	sshll.u32 s30, $0x8;
	s28 =	sand.u32 $0x380, s5;
	s2 =	sor.u32 s23, s22  }
0x4d: {  	[hbm4b:s1+s3] =	stream.linear.scatter [tilespmem:s2], [sflag:$0x1], $0x80, $0x38;
	[tilespmem:$0xC00] =	vst v63  }
0x4e: {  	s21 =	sadd.s32 $0x140, s11;
	s22 =	sadd.s32 $0x1B0, s11;
	s2 =	sor.u32 $0x400, s2  }
0x4f: {  	(v2sf) =	vpush v0, $0xB;
	[hbm4b:s0+s3] =	stream.linear.scatter [tilespmem:s2], [sflag:$0x1], $0x80, $0x38;
	[tilespmem:$0xC00] =	vst v63  }
0x50: {  	(v2sf) =	vpush v0, $0xC;
	s1 =	sand.u32 $0xFFFFF800, s31;
	s0 =	sor.u32 s28, s26;
	s2 =	sshll.u32 s30, $0x7  }
0x51: {  	(v2sf) =	vpush v0, $0xD;
	[hbm4b:s29+s3] =	stream.linear.scatter [tilespmem:s0], [sflag:$0x1], $0x80, $0x38;
	[tilespmem:$0xC00] =	vst v63  }
.LBB2_2:
0x52: {  	_ =	sdelay $0x5  }
0x53: {  	s4 =	sor.u32 $0x400, s0;
	s2 =	sand.u32 $0x380, s2  }
0x54: {  	[hbm4b:s19+s3] =	stream.linear.scatter [tilespmem:s4], [sflag:$0x1], $0x80, $0x38;
	[tilespmem:$0xC00] =	vst v63  }
0x55: {  	s1 =	sor.u32 s2, s1  }
0x56: {  	[hbm4b:s16+s3] =	stream.linear.scatter [tilespmem:s1], [sflag:$0x1], $0x80, $0x38;
	[tilespmem:$0xC00] =	vst v63  }
0x57: {  	s1 =	sor.u32 $0x400, s1  }
0x58: {  	[hbm4b:s15+s3] =	stream.linear.scatter [tilespmem:s1], [sflag:$0x1], $0x80, $0x38;
	[tilespmem:$0xC00] =	vst v63  }
0x59: {  	s19 =	sadd.s32 $0x130, s11;
	s5 =	spop (v2sf);
	(v2sf) =	vpush v0, $0xE  }
0x5a: {  	s10 =	sshll.u32 s5, $0x8;
	s14 =	sshll.u32 s5, $0x7;
	s23 =	spop (v2sf)  }
0x5b: {  	(v2sf) =	vpush v0, $0xF;
	s2 =	sand.u32 $0xFFFFF800, s10;
	s4 =	sand.u32 $0x380, s14;
	s25 =	sshll.u32 s23, $0x8  }
0x5c: {  	s29 =	spop (v2sf);
	s2 =	sor.u32 s4, s2;
	s4 =	sshll.u32 s23, $0x7  }
0x5d: {  	[hbm4b:s19+s3] =	stream.linear.scatter [tilespmem:s2], [sflag:$0x1], $0x80, $0x38;
	[tilespmem:$0xC00] =	vst v63  }
0x5e: {  	s26 =	sand.u32 $0xFFFFF800, s25;
	s24 =	sor.u32 $0x400, s2;
	s28 =	sand.u32 $0x380, s4  }
0x5f: {  	[hbm4b:s22+s3] =	stream.linear.scatter [tilespmem:s24], [sflag:$0x1], $0x80, $0x38;
	[tilespmem:$0xC00] =	vst v63  }
0x60: {  	s30 =	sshll.u32 s29, $0x8;
	s4 =	sshll.u32 s29, $0x7;
	s1 =	sor.u32 s28, s26  }
0x61: {  	[hbm4b:s21+s3] =	stream.linear.scatter [tilespmem:s1], [sflag:$0x1], $0x80, $0x38;
	[tilespmem:$0xC00] =	vst v63  }
0x62: {  	s2 =	sand.u32 $0xFFFFF800, s30;
	s4 =	sand.u32 $0x380, s4;
	s1 =	sor.u32 $0x400, s1  }
0x63: {  	[hbm4b:s20+s3] =	stream.linear.scatter [tilespmem:s1], [sflag:$0x1], $0x80, $0x38;
	[tilespmem:$0xC00] =	vst v63  }
0x64: {  	s31 =	sadd.s32 $0x150, s11;
	s2 =	sor.u32 s4, s2  }
0x65: {  	[hbm4b:s31+s3] =	stream.linear.scatter [tilespmem:s2], [sflag:$0x1], $0x80, $0x38;
	[tilespmem:$0xC00] =	vst v63  }
0x66: {  	s6 =	sor.u32 $0x400, s2  }
0x67: {  	[hbm4b:s18+s3] =	stream.linear.scatter [tilespmem:s6], [sflag:$0x1], $0x80, $0x38;
	[tilespmem:$0xC00] =	vst v63  }
0x68: {  	s5 =	spop (v2sf)  }
0x69: {  	s8 =	sshll.u32 s5, $0x8;
	s4 =	sshll.u32 s5, $0x7  }
0x6a: {  	s14 =	spop (v2sf);
	s9 =	sand.u32 $0xFFFFF800, s8;
	s10 =	sand.u32 $0x380, s4  }
0x6b: {  	s15 =	sshll.u32 s14, $0x8;
	s4 =	sshll.u32 s14, $0x7;
	s1 =	sor.u32 s10, s9  }
0x6c: {  	[hbm4b:s17+s3] =	stream.linear.scatter [tilespmem:s1], [sflag:$0x1], $0x80, $0x38;
	[tilespmem:$0xC00] =	vst v63  }
0x6d: {  	s2 =	sand.u32 $0xFFFFF800, s15;
	s4 =	sand.u32 $0x380, s4;
	s1 =	sor.u32 $0x400, s1  }
0x6e: {  	[hbm4b:s7+s3] =	stream.linear.scatter [tilespmem:s1], [sflag:$0x1], $0x80, $0x38;
	[tilespmem:$0xC00] =	vst v63  }
0x6f: {  	s16 =	sadd.s32 $0x170, s11;
	s2 =	sor.u32 s4, s2  }
0x70: {  	[hbm4b:s16+s3] =	stream.linear.scatter [tilespmem:s2], [sflag:$0x1], $0x80, $0x38;
	[tilespmem:$0xC00] =	vst v63  }
0x71: {  	s18 =	sadd.s32 $0x1F0, s11;
	s17 =	sor.u32 $0x400, s2  }
0x72: {  	[hbm4b:s18+s3] =	stream.linear.scatter [tilespmem:s17], [sflag:$0x1], $0x80, $0x38;
	[tilespmem:$0xC00] =	vst v63  }
0x73: {  	v0 =	vld [tilespmem:s13+$0x0];
	_ =	sdelay $0x4  }
0x74: {  	(v2sf) =	vpush v0, $0x1  }
0x75: {  	s0 =	smov.u32 s12;
	s19 =	rddreg [dreg:$0x4];
	(v2sf) =	vpush v0, $0x2  }
0x76: {  	s11 =	sadd.s32 s0, s19;
	(v2sf) =	vpush v0, $0x3  }
0x77: {  	p0 =	sne.s32 s12, $0x7E00;
	s0 =	sadd.s32 $0x40, s11;
	(v2sf) =	vpush v0, $0x0  }
0x78: {  	s12 =	sadd.s32 $0x200, s12;
	s20 =	sadd.s32 $0x100, s11;
	[dreg:$0xc] =	wrdreg s0  }
0x79: {  	s31 =	sadd.s32 $0xB0, s11;
	s21 =	sadd.s32 $0x180, s11;
	[dreg:$0x6] =	wrdreg s20  }
0x7a: {  	s6 =	sadd.s32 $0x80, s11;
	s22 =	sadd.s32 $0xE0, s11;
	[dreg:$0x5] =	wrdreg s21;
	(v2sf) =	vpush v0, $0x6  }
0x7b: {  	s23 =	sadd.s32 $0xF0, s11;
	s24 =	sadd.s32 $0x60, s11;
	[dreg:$0x9] =	wrdreg s22  }
0x7c: {  	s25 =	sadd.s32 $0x70, s11;
	s19 =	sadd.s32 $0x190, s11;
	[dreg:$0x7] =	wrdreg s23;
	(v2sf) =	vpush v0, $0x4  }
0x7d: {  	s29 =	sadd.s32 $0x50, s11;
	s30 =	sadd.s32 $0xD0, s11;
	[dreg:$0xb] =	wrdreg s24  }
0x7e: {  	s5 =	sadd.s32 $0x10, s11;
	s0 =	sadd.s32 $0x120, s11;
	[dreg:$0xa] =	wrdreg s25  }
0x7f: {  	s21 =	sadd.s32 $0x140, s11;
	s20 =	sadd.s32 $0x1C0, s11;
	s22 =	sadd.s32 $0x1B0, s11  }
0x80: {  	s8 =	sadd.s32 $0xA0, s11;
	s14 =	sadd.s32 $0x110, s11;
	s10 =	sadd.s32 $0x20, s11  }
0x81: {  	s9 =	sadd.s32 $0x90, s11;
	[dreg:$0x8] =	wrdreg s14;
	s4 =	sadd.s32 $0xC0, s11  }
0x82: {  	s1 =	sadd.s32 $0x30, s11;
	s7 =	sadd.s32 $0x1E0, s11;
	s2 =	sadd.s32 $0x1A0, s11  }
0x83: {  	s18 =	sadd.s32 $0x1D0, s11;
	s17 =	sadd.s32 $0x160, s11;
	s26 =	spop (v2sf)  }
0x84: {  	s13 =	sadd.s32 $0x10, s13;
	s23 =	sshll.u32 s26, $0x8;
	s24 =	spop (v2sf)  }
0x85: {  	s14 =	sshll.u32 s26, $0x7;
	(v2sf) =	vpush v0, $0x5;
	s23 =	sand.u32 $0xFFFFF800, s23;
	s25 =	spop (v2sf)  }
0x86: {  	s14 =	sand.u32 $0x380, s14;
	s28 =	sshll.u32 s24, $0x8;
	s16 =	spop (v2sf)  }
0x87: {  	s24 =	sshll.u32 s24, $0x7;
	s26 =	sshll.u32 s16, $0x8;
	s15 =	sshll.u32 s16, $0x7  }
0x88: {  	s14 =	sor.u32 s14, s23;
	s26 =	sand.u32 $0xFFFFF800, s26;
	s15 =	sand.u32 $0x380, s15  }
0x89: {  	s23 =	sand.u32 $0xFFFFF800, s28;
	s16 =	spop (v2sf);
	s15 =	sor.u32 s15, s26  }
0x8a: {  	(v2sf) =	vpush v0, $0x7;
	[hbm4b:s11+s3] =	stream.linear.scatter [tilespmem:s15], [sflag:$0x1], $0x80, $0x38;
	[tilespmem:$0xC00] =	vst v63  }
0x8b: {  	s28 =	sshll.u32 s25, $0x8;
	s26 =	spop (v2sf);
	s15 =	sor.u32 $0x400, s15  }
0x8c: {  	[hbm4b:s6+s3] =	stream.linear.scatter [tilespmem:s15], [sflag:$0x1], $0x80, $0x38;
	[tilespmem:$0xC00] =	vst v63  }
0x8d: {  	s6 =	sand.u32 $0xFFFFF800, s28;
	s28 =	sshll.u32 s25, $0x7;
	s25 =	sshll.u32 s26, $0x8  }
0x8e: {  	s24 =	sand.u32 $0x380, s24;
	s28 =	sand.u32 $0x380, s28;
	s15 =	sand.u32 $0xFFFFF800, s25  }
0x8f: {  	[hbm4b:s5+s3] =	stream.linear.scatter [tilespmem:s14], [sflag:$0x1], $0x80, $0x38;
	[tilespmem:$0xC00] =	vst v63  }
0x90: {  	s14 =	sor.u32 $0x400, s14;
	s6 =	sor.u32 s28, s6;
	s28 =	sshll.u32 s16, $0x7  }
0x91: {  	[hbm4b:s9+s3] =	stream.linear.scatter [tilespmem:s14], [sflag:$0x1], $0x80, $0x38;
	[tilespmem:$0xC00] =	vst v63  }
0x92: {  	s9 =	sor.u32 s24, s23;
	s14 =	sshll.u32 s26, $0x7;
	s26 =	sor.u32 $0x400, s6  }
0x93: {  	(v2sf) =	vpush v0, $0x8;
	[hbm4b:s10+s3] =	stream.linear.scatter [tilespmem:s9], [sflag:$0x1], $0x80, $0x38;
	[tilespmem:$0xC00] =	vst v63  }
0x94: {  	s5 =	sor.u32 $0x400, s9;
	s9 =	sand.u32 $0x380, s14;
	s23 =	spop (v2sf)  }
0x95: {  	[hbm4b:s8+s3] =	stream.linear.scatter [tilespmem:s5], [sflag:$0x1], $0x80, $0x38;
	[tilespmem:$0xC00] =	vst v63  }
0x96: {  	s10 =	sshll.u32 s16, $0x8;
	s16 =	smov.u32 s0;
	s24 =	sshll.u32 s23, $0x8  }
0x97: {  	s25 =	sshll.u32 s23, $0x7;
	s23 =	rddreg [dreg:$0xc];
	s5 =	sand.u32 $0xFFFFF800, s24  }
0x98: {  	[hbm4b:s1+s3] =	stream.linear.scatter [tilespmem:s6], [sflag:$0x1], $0x80, $0x38;
	[tilespmem:$0xC00] =	vst v63  }
0x99: {  	s8 =	sand.u32 $0x380, s25;
	s0 =	spop (v2sf);
	s1 =	sor.u32 s9, s15  }
0x9a: {  	s15 =	smov.u32 s2;
	s24 =	sor.u32 s8, s5;
	s6 =	sand.u32 $0x380, s28  }
0x9b: {  	(v2sf) =	vpush v0, $0x9;
	[hbm4b:s31+s3] =	stream.linear.scatter [tilespmem:s26], [sflag:$0x1], $0x80, $0x38;
	[tilespmem:$0xC00] =	vst v63  }
0x9c: {  	s9 =	sshll.u32 s0, $0x8;
	s14 =	sshll.u32 s0, $0x7;
	s0 =	sor.u32 $0x400, s1  }
0x9d: {  	[hbm4b:s23+s3] =	stream.linear.scatter [tilespmem:s1], [sflag:$0x1], $0x80, $0x38;
	[tilespmem:$0xC00] =	vst v63  }
0x9e: {  	s25 =	sand.u32 $0x380, s14;
	s26 =	sand.u32 $0xFFFFF800, s10;
	s10 =	rddreg [dreg:$0xa]  }
0x9f: {  	(v2sf) =	vpush v0, $0xA;
	[hbm4b:s4+s3] =	stream.linear.scatter [tilespmem:s0], [sflag:$0x1], $0x80, $0x38;
	[tilespmem:$0xC00] =	vst v63  }
0xa0: {  	s28 =	sor.u32 s6, s26;
	s6 =	rddreg [dreg:$0x9];
	s1 =	sand.u32 $0xFFFFF800, s9  }
0xa1: {  	[hbm4b:s29+s3] =	stream.linear.scatter [tilespmem:s24], [sflag:$0x1], $0x80, $0x38;
	[tilespmem:$0xC00] =	vst v63  }
0xa2: {  	s23 =	rddreg [dreg:$0x7];
	s0 =	sor.u32 $0x400, s24;
	s29 =	spop (v2sf)  }
0xa3: {  	[hbm4b:s30+s3] =	stream.linear.scatter [tilespmem:s0], [sflag:$0x1], $0x80, $0x38;
	[tilespmem:$0xC00] =	vst v63  }
0xa4: {  	s31 =	sshll.u32 s29, $0x8;
	s2 =	sshll.u32 s29, $0x7;
	s30 =	rddreg [dreg:$0xb]  }
0xa5: {  	[hbm4b:s30+s3] =	stream.linear.scatter [tilespmem:s28], [sflag:$0x1], $0x80, $0x38;
	[tilespmem:$0xC00] =	vst v63  }
0xa6: {  	s0 =	sor.u32 $0x400, s28;
	s8 =	sand.u32 $0xFFFFF800, s31;
	s31 =	rddreg [dreg:$0x8]  }
0xa7: {  	[hbm4b:s6+s3] =	stream.linear.scatter [tilespmem:s0], [sflag:$0x1], $0x80, $0x38;
	[tilespmem:$0xC00] =	vst v63  }
0xa8: {  	s1 =	sor.u32 s25, s1;
	s2 =	sand.u32 $0x380, s2;
	s28 =	rddreg [dreg:$0x6]  }
0xa9: {  	[hbm4b:s10+s3] =	stream.linear.scatter [tilespmem:s1], [sflag:$0x1], $0x80, $0x38;
	[tilespmem:$0xC00] =	vst v63  }
0xaa: {  	s9 =	spop (v2sf);
	s30 =	rddreg [dreg:$0x5];
	s1 =	sor.u32 $0x400, s1  }
0xab: {  	[hbm4b:s23+s3] =	stream.linear.scatter [tilespmem:s1], [sflag:$0x1], $0x80, $0x38;
	[tilespmem:$0xC00] =	vst v63  }
0xac: {  	s14 =	sshll.u32 s9, $0x8;
	s25 =	sshll.u32 s9, $0x7;
	s0 =	sor.u32 s2, s8  }
0xad: {  	[hbm4b:s28+s3] =	stream.linear.scatter [tilespmem:s0], [sflag:$0x1], $0x80, $0x38;
	[tilespmem:$0xC00] =	vst v63  }
.Ltmp0:
0xae: {  	s24 =	sand.u32 $0xFFFFF800, s14;
	s26 =	spop (v2sf);
	(pc) =	sbr.rel @p0 .LBB2_2-.Ltmp0, $4  }
0xaf: {  	s2 =	sand.u32 $0x380, s25;
	s29 =	sshll.u32 s26, $0x8;
	s0 =	sor.u32 $0x400, s0  }
0xb0: {  	(v2sf) =	vpush v0, $0xB;
	[hbm4b:s30+s3] =	stream.linear.scatter [tilespmem:s0], [sflag:$0x1], $0x80, $0x38;
	[tilespmem:$0xC00] =	vst v63  }
0xb1: {  	(v2sf) =	vpush v0, $0xC;
	s1 =	sand.u32 $0xFFFFF800, s29;
	s0 =	sor.u32 s2, s24;
	s2 =	sshll.u32 s26, $0x7  }
0xb2: {  	(v2sf) =	vpush v0, $0xD;
	[hbm4b:s31+s3] =	stream.linear.scatter [tilespmem:s0], [sflag:$0x1], $0x80, $0x38;
	[tilespmem:$0xC00] =	vst v63  }
0xb3: {  	_ =	sdelay $0x5  }
0xb4: {  	s0 =	sor.u32 $0x400, s0;
	s2 =	sand.u32 $0x380, s2  }
0xb5: {  	[hbm4b:s19+s3] =	stream.linear.scatter [tilespmem:s0], [sflag:$0x1], $0x80, $0x38;
	[tilespmem:$0xC00] =	vst v63  }
0xb6: {  	s1 =	sor.u32 s2, s1  }
0xb7: {  	[hbm4b:s16+s3] =	stream.linear.scatter [tilespmem:s1], [sflag:$0x1], $0x80, $0x38;
	[tilespmem:$0xC00] =	vst v63  }
0xb8: {  	s0 =	sor.u32 $0x400, s1  }
0xb9: {  	[hbm4b:s15+s3] =	stream.linear.scatter [tilespmem:s0], [sflag:$0x1], $0x80, $0x38;
	[tilespmem:$0xC00] =	vst v63  }
0xba: {  	s5 =	sadd.s32 $0x130, s11;
	s4 =	spop (v2sf);
	(v2sf) =	vpush v0, $0xE  }
0xbb: {  	s2 =	sshll.u32 s4, $0x8;
	s4 =	sshll.u32 s4, $0x7;
	s6 =	spop (v2sf)  }
0xbc: {  	(v2sf) =	vpush v0, $0xF;
	s1 =	sand.u32 $0xFFFFF800, s2;
	s2 =	sand.u32 $0x380, s4;
	s9 =	sshll.u32 s6, $0x8  }
0xbd: {  	s13 =	spop (v2sf);
	s1 =	sor.u32 s2, s1;
	s2 =	sshll.u32 s6, $0x7  }
0xbe: {  	[hbm4b:s5+s3] =	stream.linear.scatter [tilespmem:s1], [sflag:$0x1], $0x80, $0x38;
	[tilespmem:$0xC00] =	vst v63  }
0xbf: {  	s10 =	sand.u32 $0xFFFFF800, s9;
	s8 =	sor.u32 $0x400, s1;
	s12 =	sand.u32 $0x380, s2  }
0xc0: {  	[hbm4b:s22+s3] =	stream.linear.scatter [tilespmem:s8], [sflag:$0x1], $0x80, $0x38;
	[tilespmem:$0xC00] =	vst v63  }
0xc1: {  	s14 =	sshll.u32 s13, $0x8;
	s2 =	sshll.u32 s13, $0x7;
	s0 =	sor.u32 s12, s10  }
0xc2: {  	[hbm4b:s21+s3] =	stream.linear.scatter [tilespmem:s0], [sflag:$0x1], $0x80, $0x38;
	[tilespmem:$0xC00] =	vst v63  }
0xc3: {  	s1 =	sand.u32 $0xFFFFF800, s14;
	s2 =	sand.u32 $0x380, s2;
	s0 =	sor.u32 $0x400, s0  }
0xc4: {  	[hbm4b:s20+s3] =	stream.linear.scatter [tilespmem:s0], [sflag:$0x1], $0x80, $0x38;
	[tilespmem:$0xC00] =	vst v63  }
0xc5: {  	s15 =	sadd.s32 $0x150, s11;
	s1 =	sor.u32 s2, s1  }
0xc6: {  	[hbm4b:s15+s3] =	stream.linear.scatter [tilespmem:s1], [sflag:$0x1], $0x80, $0x38;
	[tilespmem:$0xC00] =	vst v63  }
0xc7: {  	s19 =	sor.u32 $0x400, s1  }
0xc8: {  	[hbm4b:s18+s3] =	stream.linear.scatter [tilespmem:s19], [sflag:$0x1], $0x80, $0x38;
	[tilespmem:$0xC00] =	vst v63  }
0xc9: {  	s16 =	spop (v2sf)  }
0xca: {  	s20 =	sshll.u32 s16, $0x8;
	s2 =	sshll.u32 s16, $0x7  }
0xcb: {  	s23 =	spop (v2sf);
	s21 =	sand.u32 $0xFFFFF800, s20;
	s22 =	sand.u32 $0x380, s2  }
0xcc: {  	s24 =	sshll.u32 s23, $0x8;
	s2 =	sshll.u32 s23, $0x7;
	s0 =	sor.u32 s22, s21  }
0xcd: {  	[hbm4b:s17+s3] =	stream.linear.scatter [tilespmem:s0], [sflag:$0x1], $0x80, $0x38;
	[tilespmem:$0xC00] =	vst v63  }
0xce: {  	s1 =	sand.u32 $0xFFFFF800, s24;
	s2 =	sand.u32 $0x380, s2;
	s0 =	sor.u32 $0x400, s0  }
0xcf: {  	[hbm4b:s7+s3] =	stream.linear.scatter [tilespmem:s0], [sflag:$0x1], $0x80, $0x38;
	[tilespmem:$0xC00] =	vst v63  }
0xd0: {  	s25 =	sadd.s32 $0x170, s11;
	s1 =	sor.u32 s2, s1  }
0xd1: {  	[hbm4b:s25+s3] =	stream.linear.scatter [tilespmem:s1], [sflag:$0x1], $0x80, $0x38;
	[tilespmem:$0xC00] =	vst v63  }
0xd2: {  	s28 =	sadd.s32 $0x1F0, s11;
	s29 =	simm.s32 $0x1;
	s26 =	sor.u32 $0x400, s1  }
0xd3: {  	[hbm4b:s28+s3] =	stream.linear.scatter [tilespmem:s26], [sflag:$0x1], $0x80, $0x38;
	[tilespmem:$0xC00] =	vst v63  }
0xd4: {  	_ =	swait.ge [sflag:s29], $0x8000  }
0xd5: {  	[sflag:s29] =	ssyncset.done $0x0  }
0xd6: {  	[sflag:s29] =	ssyncadd.s32 $0xFFFF8000  }
0xd7: {  	_ =	swait.ge [sflag:s29], $0x8000  }
0xd8: {  	[sflag:s29] =	ssyncset.done $0x0  }
0xd9: {  	[sflag:s29] =	ssyncadd.s32 $0xFFFF8000  }
0xda: {  	_ =	swait.ge [sflag:s29], $0x8000  }
0xdb: {  	[sflag:s29] =	ssyncset.done $0x0  }
0xdc: {  	[sflag:s29] =	ssyncadd.s32 $0xFFFF8000  }
0xdd: {  	_ =	swait.ge [sflag:s29], $0x8000  }
0xde: {  	[sflag:s29] =	ssyncset.done $0x0  }
0xdf: {  	[sflag:s29] =	ssyncadd.s32 $0xFFFF8000  }
0xe0: {  	_ =	swait.ge [sflag:s29], $0x8000  }
0xe1: {  	[sflag:s29] =	ssyncset.done $0x0  }
0xe2: {  	[sflag:s29] =	ssyncadd.s32 $0xFFFF8000  }
0xe3: {  	_ =	swait.ge [sflag:s29], $0x8000  }
0xe4: {  	[sflag:s29] =	ssyncset.done $0x0  }
0xe5: {  	[sflag:s29] =	ssyncadd.s32 $0xFFFF8000  }
0xe6: {  	_ =	swait.ge [sflag:s29], $0x8000  }
0xe7: {  	[sflag:s29] =	ssyncset.done $0x0  }
0xe8: {  	[sflag:s29] =	ssyncadd.s32 $0xFFFF8000  }
0xe9: {  	_ =	swait.ge [sflag:s29], $0x8000  }
0xea: {  	s30 =	rddreg [dreg:$0xf]  }
0xeb: {  	s31 =	rddreg [dreg:$0xe];
	s2 =	sadd.s32 $0x1, s30  }
0xec: {  	p0 =	sne.s32 s2, s31  }
.Ltmp1:
0xed: {  	_ = 	snop;
	(pc) =	sbr.rel @p0 .LBB2_1-.Ltmp1, $3  }
0xee: {  	_ =	sdelay $0x1  }
0xef: {  	[sflag:s29] =	ssyncset.done $0x0  }
0xf0: {  	[sflag:s29] =	ssyncadd.s32 $0xFFFF8000  }
0xf1: {  	_ =	sfence.sel $0x180000  }
0xf2: {  	[bflag:$0x0] =	sbarrier.arrive $0xFFFF  }
0xf3: {  	_ =	strace $0x90000047  }
0xf4: {  	s0 =	stileid.u32;
	[bflag:$0x2] =	sbarrier.arrive $0xFFFF  }
0xf5: {  	p0 =	sne.s32 s0, $0x0;
	s0 =	rddreg [dreg:$0x3]  }
0xf6: {  	s0 =	sadd.s32 @!p0 $0x100000, s0  }
0xf7: {  	[sflag:s0] =	ssyncadd.tile.s32 @!p0 $0x1;
	_ =	shalt  }
.Lfunc_end2:
_tile_overlayer_lowered:
.L_overlay_start_2:
0xf8: {  	(tag) =	ssettag $0x2  }
0xf9: {  	s0 =	rddreg [dreg:$0x0];
	s2 =	stileid.u32  }
0xfa: {  	s1 =	rddreg [dreg:$0x1];
	p0 =	sne.s32 s2, $0x0  }
0xfb: {  	s3 =	rddreg [dreg:$0x2];
	[bflag:$0x3] =	sbarrier.arrive $0xFFFF;
	s2 =	simm.s32 @!p0 $0x1C02  }
0xfc: {  	[timem:s3], [sflag:s2] =	dma.local @!p0 [hbm:s0], s1  }
0xfd: {  	s0 =	simm.s32 @!p0 $0x2  }
0xfe: {  	_ =	swait.ge @!p0 [sflag:s0], s1  }
0xff: {  	s1 =	ssub.s32 @!p0 $0x0, s1;
	[sflag:s0] =	ssyncset.done @!p0 $0x0  }
0x100: {  	[sflag:s0] =	ssyncadd.s32 @!p0 s1  }
0x101: {  	[bflag:$0x3] =	sbarrier.arrive $0xFFFF  }
0x102: {  	_ =	shalt  }

</sc_bundles>
